<compile_context>
chip_gen: v7x
topology: tpu7x:2x2x1
jax: 0.10.2.dev20260603
libtpu: 0.0.44.dev20260713+nightly
codegen_flags: <defaults>
</compile_context>

<pallas_src>
import functools

import jax
import jax.numpy as jnp
from jax import lax
from jax.experimental import pallas as pl
from jax.experimental.pallas import tpu as pltpu
from jax.experimental.pallas import tpu_sc as plsc

VOCAB = 100000
EMB = 128
BATCH = 4096
HIST = 200
B = BATCH * HIST

NC = 2
NS = 16
NW = NC * NS
B_PER_W = B // NW
CHUNK = 80
NCHUNK = B_PER_W // CHUNK
M = 4
S = 4
D = 2

_mesh = plsc.VectorSubcoreMesh(core_axis_name="c", subcore_axis_name="s")


@functools.partial(
    pl.kernel,
    mesh=_mesh,
    out_type=jax.ShapeDtypeStruct((B, EMB), jnp.float32),
    scratch_types=[
        pltpu.VMEM((B_PER_W,), jnp.int32),
        pltpu.VMEM((M, CHUNK, EMB), jnp.float32),
        pltpu.VMEM_SHARED((NS, S, CHUNK, EMB), jnp.float32),
        pltpu.SemaphoreType.DMA((M,)),
        pltpu.SemaphoreType.DMA((S,)),
        pltpu.SemaphoreType.DMA((S,)),
    ],
)
def _gather(idx_hbm, table_hbm, out_hbm, idx_v, rows_v, shared, gsem, psem,
            osem):
    cid = lax.axis_index("c")
    sid = lax.axis_index("s")
    wid = sid * NC + cid
    base = wid * B_PER_W

    pltpu.sync_copy(idx_hbm.at[pl.ds(base, B_PER_W)], idx_v)
    for b in range(M):
        pltpu.async_copy(
            table_hbm.at[idx_v.at[pl.ds(b * CHUNK, CHUNK)]],
            rows_v.at[b], gsem.at[b])

    def outer(i, carry):
        for u in range(M):
            c = i * M + u
            off = base + c * CHUNK
            pltpu.make_async_copy(
                table_hbm.at[idx_v.at[pl.ds(u * CHUNK, CHUNK)]],
                rows_v.at[u], gsem.at[u]).wait()

            @pl.when(c >= S)
            def _slot_free():
                pltpu.make_async_copy(
                    shared.at[sid, u],
                    out_hbm.at[pl.ds(off - S * CHUNK, CHUNK)],
                    osem.at[u]).wait()

            pltpu.async_copy(rows_v.at[u], shared.at[sid, u], psem.at[u])

            u2 = (u - D) % M
            c2 = c - D

            @pl.when(c2 >= 0)
            def _drain():
                off2 = base + c2 * CHUNK
                pltpu.make_async_copy(
                    rows_v.at[u2], shared.at[sid, u2], psem.at[u2]).wait()
                pltpu.async_copy(
                    shared.at[sid, u2],
                    out_hbm.at[pl.ds(off2, CHUNK)], osem.at[u2])

                @pl.when(c2 + M < NCHUNK)
                def _refill():
                    pltpu.async_copy(
                        table_hbm.at[idx_v.at[pl.ds((c2 + M) * CHUNK, CHUNK)]],
                        rows_v.at[u2], gsem.at[u2])
        return carry

    lax.fori_loop(0, NCHUNK // M, outer, 0)

    for c2 in range(NCHUNK - D, NCHUNK):
        u2 = c2 % M
        off2 = base + c2 * CHUNK
        pltpu.make_async_copy(
            rows_v.at[u2], shared.at[sid, u2], psem.at[u2]).wait()
        pltpu.async_copy(
            shared.at[sid, u2], out_hbm.at[pl.ds(off2, CHUNK)], osem.at[u2])

    for c2 in range(NCHUNK - S, NCHUNK):
        u2 = c2 % S
        off2 = base + c2 * CHUNK
        pltpu.make_async_copy(
            shared.at[sid, u2], out_hbm.at[pl.ds(off2, CHUNK)],
            osem.at[u2]).wait()


def kernel(inputs, embedding):
    idx = inputs.reshape(-1).astype(jnp.int32)
    out = _gather(idx, embedding)
    return out.reshape(BATCH, HIST, EMB)

# --- scband reference (transcript-rebuilt; emitter-appended) ---
"""Pipeline reference for scband-museembedder-52596169507222 (READ-ONLY COPY).

The authoritative reference and input builder live on the scoring server;
editing this copy changes nothing except your own understanding.
"""

import jax, jax.numpy as jnp
import numpy as np

VOCAB = 100000
EMB_DIM = 128
BATCH = 4096
HIST = 200

def setup_inputs(seed: int = 0) -> dict:
    key = jax.random.key(seed)
    k_idx, k_tab = jax.random.split(key)
    inputs = jax.random.randint(k_idx, (BATCH, HIST), 0, VOCAB, dtype=jnp.int64 if jax.config.jax_enable_x64 else jnp.int32)
    embedding = jax.random.normal(k_tab, (VOCAB, EMB_DIM), dtype=jnp.float32)
    return {"inputs": inputs, "embedding": embedding}

def reference(inputs, embedding):
    # nn.Embedding lookup: gather rows of the (frozen) table
    embeds = jnp.take(embedding, inputs, axis=0)
    return embeds

if __name__ == "__main__":
    import jax
    _d = setup_inputs()
    print(jax.jit(kernel)(*tuple(_d.values())))

</pallas_src>

<mosaic_0001>
#map = affine_map<(d0, d1) -> (0)>
#map1 = affine_map<(d0, d1) -> (0, 0)>
module attributes {stable_mosaic.version = 14 : i64} {
  func.func @_gather(%arg0: i32, %arg1: i32, %arg2: memref<819200xi32, #tpu.memory_space<hbm>>, %arg3: memref<100000x128xf32, #tpu.memory_space<hbm>>, %arg4: memref<819200x128xf32, #tpu.memory_space<hbm>>, %arg5: memref<25600xi32, #tpu.memory_space<vmem>>, %arg6: memref<4x80x128xf32, #tpu.memory_space<vmem>>, %arg7: memref<16x4x80x128xf32, #tpu.memory_space<vmem_shared>>, %arg8: memref<4x!tpu.dma_semaphore, #tpu.memory_space<semaphore_mem>>, %arg9: memref<4x!tpu.dma_semaphore, #tpu.memory_space<semaphore_mem>>, %arg10: memref<4x!tpu.dma_semaphore, #tpu.memory_space<semaphore_mem>>) attributes {dimension_semantics = [#tpu.dimension_semantics<core_parallel>, #tpu.dimension_semantics<subcore_parallel>], iteration_bounds = array<i64: 2, 16>, scalar_prefetch = 0 : i64, scratch_operands = 6 : i64, tpu.core_type = #tpu.core_type<sc_vector_subcore>, window_params = [{transform_indices = #map}, {transform_indices = #map1}, {transform_indices = #map1}]} {
    %mul3A = arith.constant 2 : i32
    %mul3A_0 = arith.muli %arg1, %mul3A : i32
    %add3A = arith.addi %mul3A_0, %arg0 : i32
    %mul3A_1 = arith.constant 25600 : i32
    %mul3A_2 = arith.muli %add3A, %mul3A_1 : i32
    "tpu.region"() ({
      %run_scoped3A = tpu.sem_alloc : memref<!tpu.dma_semaphore, #tpu.memory_space<semaphore_mem>>
      %dma_start3A_172 = tpu.memref_slice %arg2[%mul3A_2] : memref<819200xi32, #tpu.memory_space<hbm>> -> memref<25600xi32, #tpu.memory_space<hbm>>
      %dma_start3A_173 = tpu.memref_slice %arg2[%mul3A_2] : memref<819200xi32, #tpu.memory_space<hbm>> -> memref<25600xi32, #tpu.memory_space<hbm>>
      tpu.enqueue_dma source(%dma_start3A_173 : memref<25600xi32, #tpu.memory_space<hbm>>) target(%arg5 : memref<25600xi32, #tpu.memory_space<vmem>>) target_semaphore(%run_scoped3A : memref<!tpu.dma_semaphore, #tpu.memory_space<semaphore_mem>>)
      %dma_wait3A_174 = tpu.memref_slice %arg2[%mul3A_2] : memref<819200xi32, #tpu.memory_space<hbm>> -> memref<25600xi32, #tpu.memory_space<hbm>>
      %dma_wait3A_175 = tpu.memref_slice %arg2[%mul3A_2] : memref<819200xi32, #tpu.memory_space<hbm>> -> memref<25600xi32, #tpu.memory_space<hbm>>
      tpu.wait_dma2 semaphore(%run_scoped3A : memref<!tpu.dma_semaphore, #tpu.memory_space<semaphore_mem>>) src(%dma_wait3A_175 : memref<25600xi32, #tpu.memory_space<hbm>>) dst(%arg5 : memref<25600xi32, #tpu.memory_space<vmem>>)
      tpu.yield
    }) : () -> ()
    %dma_start3A = arith.constant 0 : i32
    %dma_start3A_3 = arith.constant 0 : i32
    %dma_start3A_4 = arith.constant 0 : i32
    %dma_start3A_5 = arith.constant 0 : i32
    %dma_start3A_6 = tpu.memref_slice %arg6[%dma_start3A, %dma_start3A_4, %dma_start3A_5] : memref<4x80x128xf32, #tpu.memory_space<vmem>> -> memref<1x80x128xf32, #tpu.memory_space<vmem>>
    %dma_start3A_7 = tpu.memref_squeeze %dma_start3A_6 : memref<1x80x128xf32, #tpu.memory_space<vmem>> -> memref<80x128xf32, #tpu.memory_space<vmem>>
    %dma_start3A_8 = arith.constant 0 : i32
    %dma_start3A_9 = tpu.memref_slice %arg5[%dma_start3A_8] : memref<25600xi32, #tpu.memory_space<vmem>> -> memref<80xi32, #tpu.memory_space<vmem>>
    %dma_start3A_10 = arith.constant 0 : i32
    %dma_start3A_11 = arith.constant 0 : i32
    %dma_start3A_12 = tpu.memref_slice %arg3[%dma_start3A_10, %dma_start3A_11] : memref<100000x128xf32, #tpu.memory_space<hbm>> -> memref<100000x128xf32, #tpu.memory_space<hbm>>
    %dma_start3A_13 = tpu.memref_slice %arg8[%dma_start3A_3] : memref<4x!tpu.dma_semaphore, #tpu.memory_space<semaphore_mem>> -> memref<1x!tpu.dma_semaphore, #tpu.memory_space<semaphore_mem>>
    %dma_start3A_14 = tpu.memref_squeeze %dma_start3A_13 : memref<1x!tpu.dma_semaphore, #tpu.memory_space<semaphore_mem>> -> memref<!tpu.dma_semaphore, #tpu.memory_space<semaphore_mem>>
    tpu.enqueue_indirect_dma source(%dma_start3A_12 : memref<100000x128xf32, #tpu.memory_space<hbm>>) target(%dma_start3A_7 : memref<80x128xf32, #tpu.memory_space<vmem>>) offsets(%dma_start3A_9 : memref<80xi32, #tpu.memory_space<vmem>>) semaphore(%dma_start3A_14 : memref<!tpu.dma_semaphore, #tpu.memory_space<semaphore_mem>>)
    %dma_start3A_15 = arith.constant 1 : i32
    %dma_start3A_16 = arith.constant 1 : i32
    %dma_start3A_17 = arith.constant 0 : i32
    %dma_start3A_18 = arith.constant 0 : i32
    %dma_start3A_19 = tpu.memref_slice %arg6[%dma_start3A_15, %dma_start3A_17, %dma_start3A_18] : memref<4x80x128xf32, #tpu.memory_space<vmem>> -> memref<1x80x128xf32, #tpu.memory_space<vmem>>
    %dma_start3A_20 = tpu.memref_squeeze %dma_start3A_19 : memref<1x80x128xf32, #tpu.memory_space<vmem>> -> memref<80x128xf32, #tpu.memory_space<vmem>>
    %dma_start3A_21 = arith.constant 80 : i32
    %dma_start3A_22 = tpu.memref_slice %arg5[%dma_start3A_21] : memref<25600xi32, #tpu.memory_space<vmem>> -> memref<80xi32, #tpu.memory_space<vmem>>
    %dma_start3A_23 = arith.constant 0 : i32
    %dma_start3A_24 = arith.constant 0 : i32
    %dma_start3A_25 = tpu.memref_slice %arg3[%dma_start3A_23, %dma_start3A_24] : memref<100000x128xf32, #tpu.memory_space<hbm>> -> memref<100000x128xf32, #tpu.memory_space<hbm>>
    %dma_start3A_26 = tpu.memref_slice %arg8[%dma_start3A_16] : memref<4x!tpu.dma_semaphore, #tpu.memory_space<semaphore_mem>> -> memref<1x!tpu.dma_semaphore, #tpu.memory_space<semaphore_mem>>
    %dma_start3A_27 = tpu.memref_squeeze %dma_start3A_26 : memref<1x!tpu.dma_semaphore, #tpu.memory_space<semaphore_mem>> -> memref<!tpu.dma_semaphore, #tpu.memory_space<semaphore_mem>>
    tpu.enqueue_indirect_dma source(%dma_start3A_25 : memref<100000x128xf32, #tpu.memory_space<hbm>>) target(%dma_start3A_20 : memref<80x128xf32, #tpu.memory_space<vmem>>) offsets(%dma_start3A_22 : memref<80xi32, #tpu.memory_space<vmem>>) semaphore(%dma_start3A_27 : memref<!tpu.dma_semaphore, #tpu.memory_space<semaphore_mem>>)
    %dma_start3A_28 = arith.constant 2 : i32
    %dma_start3A_29 = arith.constant 2 : i32
    %dma_start3A_30 = arith.constant 0 : i32
    %dma_start3A_31 = arith.constant 0 : i32
    %dma_start3A_32 = tpu.memref_slice %arg6[%dma_start3A_28, %dma_start3A_30, %dma_start3A_31] : memref<4x80x128xf32, #tpu.memory_space<vmem>> -> memref<1x80x128xf32, #tpu.memory_space<vmem>>
    %dma_start3A_33 = tpu.memref_squeeze %dma_start3A_32 : memref<1x80x128xf32, #tpu.memory_space<vmem>> -> memref<80x128xf32, #tpu.memory_space<vmem>>
    %dma_start3A_34 = arith.constant 160 : i32
    %dma_start3A_35 = tpu.memref_slice %arg5[%dma_start3A_34] : memref<25600xi32, #tpu.memory_space<vmem>> -> memref<80xi32, #tpu.memory_space<vmem>>
    %dma_start3A_36 = arith.constant 0 : i32
    %dma_start3A_37 = arith.constant 0 : i32
    %dma_start3A_38 = tpu.memref_slice %arg3[%dma_start3A_36, %dma_start3A_37] : memref<100000x128xf32, #tpu.memory_space<hbm>> -> memref<100000x128xf32, #tpu.memory_space<hbm>>
    %dma_start3A_39 = tpu.memref_slice %arg8[%dma_start3A_29] : memref<4x!tpu.dma_semaphore, #tpu.memory_space<semaphore_mem>> -> memref<1x!tpu.dma_semaphore, #tpu.memory_space<semaphore_mem>>
    %dma_start3A_40 = tpu.memref_squeeze %dma_start3A_39 : memref<1x!tpu.dma_semaphore, #tpu.memory_space<semaphore_mem>> -> memref<!tpu.dma_semaphore, #tpu.memory_space<semaphore_mem>>
    tpu.enqueue_indirect_dma source(%dma_start3A_38 : memref<100000x128xf32, #tpu.memory_space<hbm>>) target(%dma_start3A_33 : memref<80x128xf32, #tpu.memory_space<vmem>>) offsets(%dma_start3A_35 : memref<80xi32, #tpu.memory_space<vmem>>) semaphore(%dma_start3A_40 : memref<!tpu.dma_semaphore, #tpu.memory_space<semaphore_mem>>)
    %dma_start3A_41 = arith.constant 3 : i32
    %dma_start3A_42 = arith.constant 3 : i32
    %dma_start3A_43 = arith.constant 0 : i32
    %dma_start3A_44 = arith.constant 0 : i32
    %dma_start3A_45 = tpu.memref_slice %arg6[%dma_start3A_41, %dma_start3A_43, %dma_start3A_44] : memref<4x80x128xf32, #tpu.memory_space<vmem>> -> memref<1x80x128xf32, #tpu.memory_space<vmem>>
    %dma_start3A_46 = tpu.memref_squeeze %dma_start3A_45 : memref<1x80x128xf32, #tpu.memory_space<vmem>> -> memref<80x128xf32, #tpu.memory_space<vmem>>
    %dma_start3A_47 = arith.constant 240 : i32
    %dma_start3A_48 = tpu.memref_slice %arg5[%dma_start3A_47] : memref<25600xi32, #tpu.memory_space<vmem>> -> memref<80xi32, #tpu.memory_space<vmem>>
    %dma_start3A_49 = arith.constant 0 : i32
    %dma_start3A_50 = arith.constant 0 : i32
    %dma_start3A_51 = tpu.memref_slice %arg3[%dma_start3A_49, %dma_start3A_50] : memref<100000x128xf32, #tpu.memory_space<hbm>> -> memref<100000x128xf32, #tpu.memory_space<hbm>>
    %dma_start3A_52 = tpu.memref_slice %arg8[%dma_start3A_42] : memref<4x!tpu.dma_semaphore, #tpu.memory_space<semaphore_mem>> -> memref<1x!tpu.dma_semaphore, #tpu.memory_space<semaphore_mem>>
    %dma_start3A_53 = tpu.memref_squeeze %dma_start3A_52 : memref<1x!tpu.dma_semaphore, #tpu.memory_space<semaphore_mem>> -> memref<!tpu.dma_semaphore, #tpu.memory_space<semaphore_mem>>
    tpu.enqueue_indirect_dma source(%dma_start3A_51 : memref<100000x128xf32, #tpu.memory_space<hbm>>) target(%dma_start3A_46 : memref<80x128xf32, #tpu.memory_space<vmem>>) offsets(%dma_start3A_48 : memref<80xi32, #tpu.memory_space<vmem>>) semaphore(%dma_start3A_53 : memref<!tpu.dma_semaphore, #tpu.memory_space<semaphore_mem>>)
    %scan3A = arith.constant 0 : i32
    %scan3A_54 = arith.constant 0 : i32
    %scan3A_55 = arith.constant 80 : i32
    %scan3A_56 = arith.addi %scan3A_54, %scan3A_55 : i32
    %scan3A_57 = arith.constant 1 : i32
    scf.for %scan3A_172 = %scan3A_54 to %scan3A_56 step %scan3A_57  : i32 {
      %mul3A_173 = arith.constant 4 : i32
      %mul3A_174 = arith.muli %scan3A_172, %mul3A_173 : i32
      %add3A_175 = arith.constant 0 : i32
      %add3A_176 = arith.addi %mul3A_174, %add3A_175 : i32
      %mul3A_177 = arith.constant 80 : i32
      %mul3A_178 = arith.muli %add3A_176, %mul3A_177 : i32
      %add3A_179 = arith.addi %mul3A_2, %mul3A_178 : i32
      %dma_wait3A_180 = arith.constant 0 : i32
      %dma_wait3A_181 = arith.constant 0 : i32
      %dma_wait3A_182 = arith.constant 0 : i32
      %dma_wait3A_183 = arith.constant 0 : i32
      %dma_wait3A_184 = tpu.memref_slice %arg6[%dma_wait3A_180, %dma_wait3A_182, %dma_wait3A_183] : memref<4x80x128xf32, #tpu.memory_space<vmem>> -> memref<1x80x128xf32, #tpu.memory_space<vmem>>
      %dma_wait3A_185 = tpu.memref_squeeze %dma_wait3A_184 : memref<1x80x128xf32, #tpu.memory_space<vmem>> -> memref<80x128xf32, #tpu.memory_space<vmem>>
      %dma_wait3A_186 = arith.constant 0 : i32
      %dma_wait3A_187 = tpu.memref_slice %arg5[%dma_wait3A_186] : memref<25600xi32, #tpu.memory_space<vmem>> -> memref<80xi32, #tpu.memory_space<vmem>>
      %dma_wait3A_188 = arith.constant 0 : i32
      %dma_wait3A_189 = arith.constant 0 : i32
      %dma_wait3A_190 = tpu.memref_slice %arg3[%dma_wait3A_188, %dma_wait3A_189] : memref<100000x128xf32, #tpu.memory_space<hbm>> -> memref<100000x128xf32, #tpu.memory_space<hbm>>
      %dma_wait3A_191 = tpu.memref_slice %arg8[%dma_wait3A_181] : memref<4x!tpu.dma_semaphore, #tpu.memory_space<semaphore_mem>> -> memref<1x!tpu.dma_semaphore, #tpu.memory_space<semaphore_mem>>
      %dma_wait3A_192 = tpu.memref_squeeze %dma_wait3A_191 : memref<1x!tpu.dma_semaphore, #tpu.memory_space<semaphore_mem>> -> memref<!tpu.dma_semaphore, #tpu.memory_space<semaphore_mem>>
      tpu.wait_indirect_dma semaphore(%dma_wait3A_192 : memref<!tpu.dma_semaphore, #tpu.memory_space<semaphore_mem>>) src(%dma_wait3A_190 : memref<100000x128xf32, #tpu.memory_space<hbm>>) dst(%dma_wait3A_185 : memref<80x128xf32, #tpu.memory_space<vmem>>)
      %ge3A = arith.constant 4 : i32
      %ge3A_193 = arith.cmpi sge, %add3A_176, %ge3A : i32
      %convert_element_type3A = arith.extui %ge3A_193 : i1 to i32
      %cond3A = arith.constant 0 : i32
      %cond3A_194 = arith.cmpi ne, %convert_element_type3A, %cond3A : i32
      scf.if %cond3A_194 {
        %sub3A_381 = arith.constant 320 : i32
        %sub3A_382 = arith.subi %add3A_179, %sub3A_381 : i32
        %dma_wait3A_383 = arith.constant 0 : i32
        %dma_wait3A_384 = arith.constant 0 : i32
        %dma_wait3A_385 = tpu.memref_slice %arg10[%dma_wait3A_384] : memref<4x!tpu.dma_semaphore, #tpu.memory_space<semaphore_mem>> -> memref<1x!tpu.dma_semaphore, #tpu.memory_space<semaphore_mem>>
        %dma_wait3A_386 = tpu.memref_squeeze %dma_wait3A_385 : memref<1x!tpu.dma_semaphore, #tpu.memory_space<semaphore_mem>> -> memref<!tpu.dma_semaphore, #tpu.memory_space<semaphore_mem>>
        %dma_wait3A_387 = arith.constant 0 : i32
        %dma_wait3A_388 = tpu.memref_slice %arg4[%sub3A_382, %dma_wait3A_387] : memref<819200x128xf32, #tpu.memory_space<hbm>> -> memref<80x128xf32, #tpu.memory_space<hbm>>
        %dma_wait3A_389 = arith.constant 0 : i32
        %dma_wait3A_390 = arith.constant 0 : i32
        %dma_wait3A_391 = tpu.memref_slice %arg7[%arg1, %dma_wait3A_383, %dma_wait3A_389, %dma_wait3A_390] : memref<16x4x80x128xf32, #tpu.memory_space<vmem_shared>> -> memref<1x1x80x128xf32, #tpu.memory_space<vmem_shared>>
        %dma_wait3A_392 = tpu.memref_squeeze %dma_wait3A_391 : memref<1x1x80x128xf32, #tpu.memory_space<vmem_shared>> -> memref<80x128xf32, #tpu.memory_space<vmem_shared>>
        tpu.wait_dma2 semaphore(%dma_wait3A_386 : memref<!tpu.dma_semaphore, #tpu.memory_space<semaphore_mem>>) src(%dma_wait3A_392 : memref<80x128xf32, #tpu.memory_space<vmem_shared>>) dst(%dma_wait3A_388 : memref<80x128xf32, #tpu.memory_space<hbm>>)
      } else {
      }
      %dma_start3A_195 = arith.constant 0 : i32
      %dma_start3A_196 = arith.constant 0 : i32
      %dma_start3A_197 = arith.constant 0 : i32
      %dma_start3A_198 = arith.constant 0 : i32
      %dma_start3A_199 = arith.constant 0 : i32
      %dma_start3A_200 = tpu.memref_slice %arg6[%dma_start3A_195, %dma_start3A_198, %dma_start3A_199] : memref<4x80x128xf32, #tpu.memory_space<vmem>> -> memref<1x80x128xf32, #tpu.memory_space<vmem>>
      %dma_start3A_201 = tpu.memref_squeeze %dma_start3A_200 : memref<1x80x128xf32, #tpu.memory_space<vmem>> -> memref<80x128xf32, #tpu.memory_space<vmem>>
      %dma_start3A_202 = arith.constant 0 : i32
      %dma_start3A_203 = arith.constant 0 : i32
      %dma_start3A_204 = tpu.memref_slice %arg7[%arg1, %dma_start3A_196, %dma_start3A_202, %dma_start3A_203] : memref<16x4x80x128xf32, #tpu.memory_space<vmem_shared>> -> memref<1x1x80x128xf32, #tpu.memory_space<vmem_shared>>
      %dma_start3A_205 = tpu.memref_squeeze %dma_start3A_204 : memref<1x1x80x128xf32, #tpu.memory_space<vmem_shared>> -> memref<80x128xf32, #tpu.memory_space<vmem_shared>>
      %dma_start3A_206 = tpu.memref_slice %arg9[%dma_start3A_197] : memref<4x!tpu.dma_semaphore, #tpu.memory_space<semaphore_mem>> -> memref<1x!tpu.dma_semaphore, #tpu.memory_space<semaphore_mem>>
      %dma_start3A_207 = tpu.memref_squeeze %dma_start3A_206 : memref<1x!tpu.dma_semaphore, #tpu.memory_space<semaphore_mem>> -> memref<!tpu.dma_semaphore, #tpu.memory_space<semaphore_mem>>
      %dma_start3A_208 = arith.constant 0 : i32
      %dma_start3A_209 = arith.constant 0 : i32
      %dma_start3A_210 = tpu.memref_slice %arg7[%arg1, %dma_start3A_196, %dma_start3A_208, %dma_start3A_209] : memref<16x4x80x128xf32, #tpu.memory_space<vmem_shared>> -> memref<1x1x80x128xf32, #tpu.memory_space<vmem_shared>>
      %dma_start3A_211 = tpu.memref_squeeze %dma_start3A_210 : memref<1x1x80x128xf32, #tpu.memory_space<vmem_shared>> -> memref<80x128xf32, #tpu.memory_space<vmem_shared>>
      %dma_start3A_212 = arith.constant 0 : i32
      %dma_start3A_213 = arith.constant 0 : i32
      %dma_start3A_214 = tpu.memref_slice %arg6[%dma_start3A_195, %dma_start3A_212, %dma_start3A_213] : memref<4x80x128xf32, #tpu.memory_space<vmem>> -> memref<1x80x128xf32, #tpu.memory_space<vmem>>
      %dma_start3A_215 = tpu.memref_squeeze %dma_start3A_214 : memref<1x80x128xf32, #tpu.memory_space<vmem>> -> memref<80x128xf32, #tpu.memory_space<vmem>>
      tpu.enqueue_dma source(%dma_start3A_215 : memref<80x128xf32, #tpu.memory_space<vmem>>) target(%dma_start3A_211 : memref<80x128xf32, #tpu.memory_space<vmem_shared>>) target_semaphore(%dma_start3A_207 : memref<!tpu.dma_semaphore, #tpu.memory_space<semaphore_mem>>)
      %sub3A = arith.constant 2 : i32
      %sub3A_216 = arith.subi %add3A_176, %sub3A : i32
      %ge3A_217 = arith.constant 0 : i32
      %ge3A_218 = arith.cmpi sge, %sub3A_216, %ge3A_217 : i32
      %convert_element_type3A_219 = arith.extui %ge3A_218 : i1 to i32
      %cond3A_220 = arith.constant 0 : i32
      %cond3A_221 = arith.cmpi ne, %convert_element_type3A_219, %cond3A_220 : i32
      scf.if %cond3A_221 {
        %mul3A_381 = arith.constant 80 : i32
        %mul3A_382 = arith.muli %sub3A_216, %mul3A_381 : i32
        %add3A_383 = arith.addi %mul3A_2, %mul3A_382 : i32
        %dma_wait3A_384 = arith.constant 2 : i32
        %dma_wait3A_385 = arith.constant 2 : i32
        %dma_wait3A_386 = arith.constant 2 : i32
        %dma_wait3A_387 = arith.constant 0 : i32
        %dma_wait3A_388 = arith.constant 0 : i32
        %dma_wait3A_389 = tpu.memref_slice %arg6[%dma_wait3A_384, %dma_wait3A_387, %dma_wait3A_388] : memref<4x80x128xf32, #tpu.memory_space<vmem>> -> memref<1x80x128xf32, #tpu.memory_space<vmem>>
        %dma_wait3A_390 = tpu.memref_squeeze %dma_wait3A_389 : memref<1x80x128xf32, #tpu.memory_space<vmem>> -> memref<80x128xf32, #tpu.memory_space<vmem>>
        %dma_wait3A_391 = arith.constant 0 : i32
        %dma_wait3A_392 = arith.constant 0 : i32
        %dma_wait3A_393 = tpu.memref_slice %arg7[%arg1, %dma_wait3A_385, %dma_wait3A_391, %dma_wait3A_392] : memref<16x4x80x128xf32, #tpu.memory_space<vmem_shared>> -> memref<1x1x80x128xf32, #tpu.memory_space<vmem_shared>>
        %dma_wait3A_394 = tpu.memref_squeeze %dma_wait3A_393 : memref<1x1x80x128xf32, #tpu.memory_space<vmem_shared>> -> memref<80x128xf32, #tpu.memory_space<vmem_shared>>
        %dma_wait3A_395 = tpu.memref_slice %arg9[%dma_wait3A_386] : memref<4x!tpu.dma_semaphore, #tpu.memory_space<semaphore_mem>> -> memref<1x!tpu.dma_semaphore, #tpu.memory_space<semaphore_mem>>
        %dma_wait3A_396 = tpu.memref_squeeze %dma_wait3A_395 : memref<1x!tpu.dma_semaphore, #tpu.memory_space<semaphore_mem>> -> memref<!tpu.dma_semaphore, #tpu.memory_space<semaphore_mem>>
        %dma_wait3A_397 = arith.constant 0 : i32
        %dma_wait3A_398 = arith.constant 0 : i32
        %dma_wait3A_399 = tpu.memref_slice %arg7[%arg1, %dma_wait3A_385, %dma_wait3A_397, %dma_wait3A_398] : memref<16x4x80x128xf32, #tpu.memory_space<vmem_shared>> -> memref<1x1x80x128xf32, #tpu.memory_space<vmem_shared>>
        %dma_wait3A_400 = tpu.memref_squeeze %dma_wait3A_399 : memref<1x1x80x128xf32, #tpu.memory_space<vmem_shared>> -> memref<80x128xf32, #tpu.memory_space<vmem_shared>>
        %dma_wait3A_401 = arith.constant 0 : i32
        %dma_wait3A_402 = arith.constant 0 : i32
        %dma_wait3A_403 = tpu.memref_slice %arg6[%dma_wait3A_384, %dma_wait3A_401, %dma_wait3A_402] : memref<4x80x128xf32, #tpu.memory_space<vmem>> -> memref<1x80x128xf32, #tpu.memory_space<vmem>>
        %dma_wait3A_404 = tpu.memref_squeeze %dma_wait3A_403 : memref<1x80x128xf32, #tpu.memory_space<vmem>> -> memref<80x128xf32, #tpu.memory_space<vmem>>
        tpu.wait_dma2 semaphore(%dma_wait3A_396 : memref<!tpu.dma_semaphore, #tpu.memory_space<semaphore_mem>>) src(%dma_wait3A_404 : memref<80x128xf32, #tpu.memory_space<vmem>>) dst(%dma_wait3A_400 : memref<80x128xf32, #tpu.memory_space<vmem_shared>>)
        %dma_start3A_405 = arith.constant 2 : i32
        %dma_start3A_406 = arith.constant 2 : i32
        %dma_start3A_407 = tpu.memref_slice %arg10[%dma_start3A_406] : memref<4x!tpu.dma_semaphore, #tpu.memory_space<semaphore_mem>> -> memref<1x!tpu.dma_semaphore, #tpu.memory_space<semaphore_mem>>
        %dma_start3A_408 = tpu.memref_squeeze %dma_start3A_407 : memref<1x!tpu.dma_semaphore, #tpu.memory_space<semaphore_mem>> -> memref<!tpu.dma_semaphore, #tpu.memory_space<semaphore_mem>>
        %dma_start3A_409 = arith.constant 0 : i32
        %dma_start3A_410 = tpu.memref_slice %arg4[%add3A_383, %dma_start3A_409] : memref<819200x128xf32, #tpu.memory_space<hbm>> -> memref<80x128xf32, #tpu.memory_space<hbm>>
        %dma_start3A_411 = arith.constant 0 : i32
        %dma_start3A_412 = arith.constant 0 : i32
        %dma_start3A_413 = tpu.memref_slice %arg7[%arg1, %dma_start3A_405, %dma_start3A_411, %dma_start3A_412] : memref<16x4x80x128xf32, #tpu.memory_space<vmem_shared>> -> memref<1x1x80x128xf32, #tpu.memory_space<vmem_shared>>
        %dma_start3A_414 = tpu.memref_squeeze %dma_start3A_413 : memref<1x1x80x128xf32, #tpu.memory_space<vmem_shared>> -> memref<80x128xf32, #tpu.memory_space<vmem_shared>>
        tpu.enqueue_dma source(%dma_start3A_414 : memref<80x128xf32, #tpu.memory_space<vmem_shared>>) target(%dma_start3A_410 : memref<80x128xf32, #tpu.memory_space<hbm>>) target_semaphore(%dma_start3A_408 : memref<!tpu.dma_semaphore, #tpu.memory_space<semaphore_mem>>)
        %add3A_415 = arith.constant 4 : i32
        %add3A_416 = arith.addi %sub3A_216, %add3A_415 : i32
        %lt3A = arith.constant 320 : i32
        %lt3A_417 = arith.cmpi slt, %add3A_416, %lt3A : i32
        %convert_element_type3A_418 = arith.extui %lt3A_417 : i1 to i32
        %cond3A_419 = arith.constant 0 : i32
        %cond3A_420 = arith.cmpi ne, %convert_element_type3A_418, %cond3A_419 : i32
        scf.if %cond3A_420 {
          %add3A_421 = arith.constant 4 : i32
          %add3A_422 = arith.addi %sub3A_216, %add3A_421 : i32
          %mul3A_423 = arith.constant 80 : i32
          %mul3A_424 = arith.muli %add3A_422, %mul3A_423 : i32
          %dma_start3A_425 = arith.constant 2 : i32
          %dma_start3A_426 = arith.constant 2 : i32
          %dma_start3A_427 = arith.constant 0 : i32
          %dma_start3A_428 = arith.constant 0 : i32
          %dma_start3A_429 = tpu.memref_slice %arg6[%dma_start3A_425, %dma_start3A_427, %dma_start3A_428] : memref<4x80x128xf32, #tpu.memory_space<vmem>> -> memref<1x80x128xf32, #tpu.memory_space<vmem>>
          %dma_start3A_430 = tpu.memref_squeeze %dma_start3A_429 : memref<1x80x128xf32, #tpu.memory_space<vmem>> -> memref<80x128xf32, #tpu.memory_space<vmem>>
          %dma_start3A_431 = tpu.memref_slice %arg5[%mul3A_424] : memref<25600xi32, #tpu.memory_space<vmem>> -> memref<80xi32, #tpu.memory_space<vmem>>
          %dma_start3A_432 = arith.constant 0 : i32
          %dma_start3A_433 = arith.constant 0 : i32
          %dma_start3A_434 = tpu.memref_slice %arg3[%dma_start3A_432, %dma_start3A_433] : memref<100000x128xf32, #tpu.memory_space<hbm>> -> memref<100000x128xf32, #tpu.memory_space<hbm>>
          %dma_start3A_435 = tpu.memref_slice %arg8[%dma_start3A_426] : memref<4x!tpu.dma_semaphore, #tpu.memory_space<semaphore_mem>> -> memref<1x!tpu.dma_semaphore, #tpu.memory_space<semaphore_mem>>
          %dma_start3A_436 = tpu.memref_squeeze %dma_start3A_435 : memref<1x!tpu.dma_semaphore, #tpu.memory_space<semaphore_mem>> -> memref<!tpu.dma_semaphore, #tpu.memory_space<semaphore_mem>>
          tpu.enqueue_indirect_dma source(%dma_start3A_434 : memref<100000x128xf32, #tpu.memory_space<hbm>>) target(%dma_start3A_430 : memref<80x128xf32, #tpu.memory_space<vmem>>) offsets(%dma_start3A_431 : memref<80xi32, #tpu.memory_space<vmem>>) semaphore(%dma_start3A_436 : memref<!tpu.dma_semaphore, #tpu.memory_space<semaphore_mem>>)
        } else {
        }
      } else {
      }
      %mul3A_222 = arith.constant 4 : i32
      %mul3A_223 = arith.muli %scan3A_172, %mul3A_222 : i32
      %add3A_224 = arith.constant 1 : i32
      %add3A_225 = arith.addi %mul3A_223, %add3A_224 : i32
      %mul3A_226 = arith.constant 80 : i32
      %mul3A_227 = arith.muli %add3A_225, %mul3A_226 : i32
      %add3A_228 = arith.addi %mul3A_2, %mul3A_227 : i32
      %dma_wait3A_229 = arith.constant 1 : i32
      %dma_wait3A_230 = arith.constant 1 : i32
      %dma_wait3A_231 = arith.constant 0 : i32
      %dma_wait3A_232 = arith.constant 0 : i32
      %dma_wait3A_233 = tpu.memref_slice %arg6[%dma_wait3A_229, %dma_wait3A_231, %dma_wait3A_232] : memref<4x80x128xf32, #tpu.memory_space<vmem>> -> memref<1x80x128xf32, #tpu.memory_space<vmem>>
      %dma_wait3A_234 = tpu.memref_squeeze %dma_wait3A_233 : memref<1x80x128xf32, #tpu.memory_space<vmem>> -> memref<80x128xf32, #tpu.memory_space<vmem>>
      %dma_wait3A_235 = arith.constant 80 : i32
      %dma_wait3A_236 = tpu.memref_slice %arg5[%dma_wait3A_235] : memref<25600xi32, #tpu.memory_space<vmem>> -> memref<80xi32, #tpu.memory_space<vmem>>
      %dma_wait3A_237 = arith.constant 0 : i32
      %dma_wait3A_238 = arith.constant 0 : i32
      %dma_wait3A_239 = tpu.memref_slice %arg3[%dma_wait3A_237, %dma_wait3A_238] : memref<100000x128xf32, #tpu.memory_space<hbm>> -> memref<100000x128xf32, #tpu.memory_space<hbm>>
      %dma_wait3A_240 = tpu.memref_slice %arg8[%dma_wait3A_230] : memref<4x!tpu.dma_semaphore, #tpu.memory_space<semaphore_mem>> -> memref<1x!tpu.dma_semaphore, #tpu.memory_space<semaphore_mem>>
      %dma_wait3A_241 = tpu.memref_squeeze %dma_wait3A_240 : memref<1x!tpu.dma_semaphore, #tpu.memory_space<semaphore_mem>> -> memref<!tpu.dma_semaphore, #tpu.memory_space<semaphore_mem>>
      tpu.wait_indirect_dma semaphore(%dma_wait3A_241 : memref<!tpu.dma_semaphore, #tpu.memory_space<semaphore_mem>>) src(%dma_wait3A_239 : memref<100000x128xf32, #tpu.memory_space<hbm>>) dst(%dma_wait3A_234 : memref<80x128xf32, #tpu.memory_space<vmem>>)
      %ge3A_242 = arith.constant 4 : i32
      %ge3A_243 = arith.cmpi sge, %add3A_225, %ge3A_242 : i32
      %convert_element_type3A_244 = arith.extui %ge3A_243 : i1 to i32
      %cond3A_245 = arith.constant 0 : i32
      %cond3A_246 = arith.cmpi ne, %convert_element_type3A_244, %cond3A_245 : i32
      scf.if %cond3A_246 {
        %sub3A_381 = arith.constant 320 : i32
        %sub3A_382 = arith.subi %add3A_228, %sub3A_381 : i32
        %dma_wait3A_383 = arith.constant 1 : i32
        %dma_wait3A_384 = arith.constant 1 : i32
        %dma_wait3A_385 = tpu.memref_slice %arg10[%dma_wait3A_384] : memref<4x!tpu.dma_semaphore, #tpu.memory_space<semaphore_mem>> -> memref<1x!tpu.dma_semaphore, #tpu.memory_space<semaphore_mem>>
        %dma_wait3A_386 = tpu.memref_squeeze %dma_wait3A_385 : memref<1x!tpu.dma_semaphore, #tpu.memory_space<semaphore_mem>> -> memref<!tpu.dma_semaphore, #tpu.memory_space<semaphore_mem>>
        %dma_wait3A_387 = arith.constant 0 : i32
        %dma_wait3A_388 = tpu.memref_slice %arg4[%sub3A_382, %dma_wait3A_387] : memref<819200x128xf32, #tpu.memory_space<hbm>> -> memref<80x128xf32, #tpu.memory_space<hbm>>
        %dma_wait3A_389 = arith.constant 0 : i32
        %dma_wait3A_390 = arith.constant 0 : i32
        %dma_wait3A_391 = tpu.memref_slice %arg7[%arg1, %dma_wait3A_383, %dma_wait3A_389, %dma_wait3A_390] : memref<16x4x80x128xf32, #tpu.memory_space<vmem_shared>> -> memref<1x1x80x128xf32, #tpu.memory_space<vmem_shared>>
        %dma_wait3A_392 = tpu.memref_squeeze %dma_wait3A_391 : memref<1x1x80x128xf32, #tpu.memory_space<vmem_shared>> -> memref<80x128xf32, #tpu.memory_space<vmem_shared>>
        tpu.wait_dma2 semaphore(%dma_wait3A_386 : memref<!tpu.dma_semaphore, #tpu.memory_space<semaphore_mem>>) src(%dma_wait3A_392 : memref<80x128xf32, #tpu.memory_space<vmem_shared>>) dst(%dma_wait3A_388 : memref<80x128xf32, #tpu.memory_space<hbm>>)
      } else {
      }
      %dma_start3A_247 = arith.constant 1 : i32
      %dma_start3A_248 = arith.constant 1 : i32
      %dma_start3A_249 = arith.constant 1 : i32
      %dma_start3A_250 = arith.constant 0 : i32
      %dma_start3A_251 = arith.constant 0 : i32
      %dma_start3A_252 = tpu.memref_slice %arg6[%dma_start3A_247, %dma_start3A_250, %dma_start3A_251] : memref<4x80x128xf32, #tpu.memory_space<vmem>> -> memref<1x80x128xf32, #tpu.memory_space<vmem>>
      %dma_start3A_253 = tpu.memref_squeeze %dma_start3A_252 : memref<1x80x128xf32, #tpu.memory_space<vmem>> -> memref<80x128xf32, #tpu.memory_space<vmem>>
      %dma_start3A_254 = arith.constant 0 : i32
      %dma_start3A_255 = arith.constant 0 : i32
      %dma_start3A_256 = tpu.memref_slice %arg7[%arg1, %dma_start3A_248, %dma_start3A_254, %dma_start3A_255] : memref<16x4x80x128xf32, #tpu.memory_space<vmem_shared>> -> memref<1x1x80x128xf32, #tpu.memory_space<vmem_shared>>
      %dma_start3A_257 = tpu.memref_squeeze %dma_start3A_256 : memref<1x1x80x128xf32, #tpu.memory_space<vmem_shared>> -> memref<80x128xf32, #tpu.memory_space<vmem_shared>>
      %dma_start3A_258 = tpu.memref_slice %arg9[%dma_start3A_249] : memref<4x!tpu.dma_semaphore, #tpu.memory_space<semaphore_mem>> -> memref<1x!tpu.dma_semaphore, #tpu.memory_space<semaphore_mem>>
      %dma_start3A_259 = tpu.memref_squeeze %dma_start3A_258 : memref<1x!tpu.dma_semaphore, #tpu.memory_space<semaphore_mem>> -> memref<!tpu.dma_semaphore, #tpu.memory_space<semaphore_mem>>
      %dma_start3A_260 = arith.constant 0 : i32
      %dma_start3A_261 = arith.constant 0 : i32
      %dma_start3A_262 = tpu.memref_slice %arg7[%arg1, %dma_start3A_248, %dma_start3A_260, %dma_start3A_261] : memref<16x4x80x128xf32, #tpu.memory_space<vmem_shared>> -> memref<1x1x80x128xf32, #tpu.memory_space<vmem_shared>>
      %dma_start3A_263 = tpu.memref_squeeze %dma_start3A_262 : memref<1x1x80x128xf32, #tpu.memory_space<vmem_shared>> -> memref<80x128xf32, #tpu.memory_space<vmem_shared>>
      %dma_start3A_264 = arith.constant 0 : i32
      %dma_start3A_265 = arith.constant 0 : i32
      %dma_start3A_266 = tpu.memref_slice %arg6[%dma_start3A_247, %dma_start3A_264, %dma_start3A_265] : memref<4x80x128xf32, #tpu.memory_space<vmem>> -> memref<1x80x128xf32, #tpu.memory_space<vmem>>
      %dma_start3A_267 = tpu.memref_squeeze %dma_start3A_266 : memref<1x80x128xf32, #tpu.memory_space<vmem>> -> memref<80x128xf32, #tpu.memory_space<vmem>>
      tpu.enqueue_dma source(%dma_start3A_267 : memref<80x128xf32, #tpu.memory_space<vmem>>) target(%dma_start3A_263 : memref<80x128xf32, #tpu.memory_space<vmem_shared>>) target_semaphore(%dma_start3A_259 : memref<!tpu.dma_semaphore, #tpu.memory_space<semaphore_mem>>)
      %sub3A_268 = arith.constant 2 : i32
      %sub3A_269 = arith.subi %add3A_225, %sub3A_268 : i32
      %ge3A_270 = arith.constant 0 : i32
      %ge3A_271 = arith.cmpi sge, %sub3A_269, %ge3A_270 : i32
      %convert_element_type3A_272 = arith.extui %ge3A_271 : i1 to i32
      %cond3A_273 = arith.constant 0 : i32
      %cond3A_274 = arith.cmpi ne, %convert_element_type3A_272, %cond3A_273 : i32
      scf.if %cond3A_274 {
        %mul3A_381 = arith.constant 80 : i32
        %mul3A_382 = arith.muli %sub3A_269, %mul3A_381 : i32
        %add3A_383 = arith.addi %mul3A_2, %mul3A_382 : i32
        %dma_wait3A_384 = arith.constant 3 : i32
        %dma_wait3A_385 = arith.constant 3 : i32
        %dma_wait3A_386 = arith.constant 3 : i32
        %dma_wait3A_387 = arith.constant 0 : i32
        %dma_wait3A_388 = arith.constant 0 : i32
        %dma_wait3A_389 = tpu.memref_slice %arg6[%dma_wait3A_384, %dma_wait3A_387, %dma_wait3A_388] : memref<4x80x128xf32, #tpu.memory_space<vmem>> -> memref<1x80x128xf32, #tpu.memory_space<vmem>>
        %dma_wait3A_390 = tpu.memref_squeeze %dma_wait3A_389 : memref<1x80x128xf32, #tpu.memory_space<vmem>> -> memref<80x128xf32, #tpu.memory_space<vmem>>
        %dma_wait3A_391 = arith.constant 0 : i32
        %dma_wait3A_392 = arith.constant 0 : i32
        %dma_wait3A_393 = tpu.memref_slice %arg7[%arg1, %dma_wait3A_385, %dma_wait3A_391, %dma_wait3A_392] : memref<16x4x80x128xf32, #tpu.memory_space<vmem_shared>> -> memref<1x1x80x128xf32, #tpu.memory_space<vmem_shared>>
        %dma_wait3A_394 = tpu.memref_squeeze %dma_wait3A_393 : memref<1x1x80x128xf32, #tpu.memory_space<vmem_shared>> -> memref<80x128xf32, #tpu.memory_space<vmem_shared>>
        %dma_wait3A_395 = tpu.memref_slice %arg9[%dma_wait3A_386] : memref<4x!tpu.dma_semaphore, #tpu.memory_space<semaphore_mem>> -> memref<1x!tpu.dma_semaphore, #tpu.memory_space<semaphore_mem>>
        %dma_wait3A_396 = tpu.memref_squeeze %dma_wait3A_395 : memref<1x!tpu.dma_semaphore, #tpu.memory_space<semaphore_mem>> -> memref<!tpu.dma_semaphore, #tpu.memory_space<semaphore_mem>>
        %dma_wait3A_397 = arith.constant 0 : i32
        %dma_wait3A_398 = arith.constant 0 : i32
        %dma_wait3A_399 = tpu.memref_slice %arg7[%arg1, %dma_wait3A_385, %dma_wait3A_397, %dma_wait3A_398] : memref<16x4x80x128xf32, #tpu.memory_space<vmem_shared>> -> memref<1x1x80x128xf32, #tpu.memory_space<vmem_shared>>
        %dma_wait3A_400 = tpu.memref_squeeze %dma_wait3A_399 : memref<1x1x80x128xf32, #tpu.memory_space<vmem_shared>> -> memref<80x128xf32, #tpu.memory_space<vmem_shared>>
        %dma_wait3A_401 = arith.constant 0 : i32
        %dma_wait3A_402 = arith.constant 0 : i32
        %dma_wait3A_403 = tpu.memref_slice %arg6[%dma_wait3A_384, %dma_wait3A_401, %dma_wait3A_402] : memref<4x80x128xf32, #tpu.memory_space<vmem>> -> memref<1x80x128xf32, #tpu.memory_space<vmem>>
        %dma_wait3A_404 = tpu.memref_squeeze %dma_wait3A_403 : memref<1x80x128xf32, #tpu.memory_space<vmem>> -> memref<80x128xf32, #tpu.memory_space<vmem>>
        tpu.wait_dma2 semaphore(%dma_wait3A_396 : memref<!tpu.dma_semaphore, #tpu.memory_space<semaphore_mem>>) src(%dma_wait3A_404 : memref<80x128xf32, #tpu.memory_space<vmem>>) dst(%dma_wait3A_400 : memref<80x128xf32, #tpu.memory_space<vmem_shared>>)
        %dma_start3A_405 = arith.constant 3 : i32
        %dma_start3A_406 = arith.constant 3 : i32
        %dma_start3A_407 = tpu.memref_slice %arg10[%dma_start3A_406] : memref<4x!tpu.dma_semaphore, #tpu.memory_space<semaphore_mem>> -> memref<1x!tpu.dma_semaphore, #tpu.memory_space<semaphore_mem>>
        %dma_start3A_408 = tpu.memref_squeeze %dma_start3A_407 : memref<1x!tpu.dma_semaphore, #tpu.memory_space<semaphore_mem>> -> memref<!tpu.dma_semaphore, #tpu.memory_space<semaphore_mem>>
        %dma_start3A_409 = arith.constant 0 : i32
        %dma_start3A_410 = tpu.memref_slice %arg4[%add3A_383, %dma_start3A_409] : memref<819200x128xf32, #tpu.memory_space<hbm>> -> memref<80x128xf32, #tpu.memory_space<hbm>>
        %dma_start3A_411 = arith.constant 0 : i32
        %dma_start3A_412 = arith.constant 0 : i32
        %dma_start3A_413 = tpu.memref_slice %arg7[%arg1, %dma_start3A_405, %dma_start3A_411, %dma_start3A_412] : memref<16x4x80x128xf32, #tpu.memory_space<vmem_shared>> -> memref<1x1x80x128xf32, #tpu.memory_space<vmem_shared>>
        %dma_start3A_414 = tpu.memref_squeeze %dma_start3A_413 : memref<1x1x80x128xf32, #tpu.memory_space<vmem_shared>> -> memref<80x128xf32, #tpu.memory_space<vmem_shared>>
        tpu.enqueue_dma source(%dma_start3A_414 : memref<80x128xf32, #tpu.memory_space<vmem_shared>>) target(%dma_start3A_410 : memref<80x128xf32, #tpu.memory_space<hbm>>) target_semaphore(%dma_start3A_408 : memref<!tpu.dma_semaphore, #tpu.memory_space<semaphore_mem>>)
        %add3A_415 = arith.constant 4 : i32
        %add3A_416 = arith.addi %sub3A_269, %add3A_415 : i32
        %lt3A = arith.constant 320 : i32
        %lt3A_417 = arith.cmpi slt, %add3A_416, %lt3A : i32
        %convert_element_type3A_418 = arith.extui %lt3A_417 : i1 to i32
        %cond3A_419 = arith.constant 0 : i32
        %cond3A_420 = arith.cmpi ne, %convert_element_type3A_418, %cond3A_419 : i32
        scf.if %cond3A_420 {
          %add3A_421 = arith.constant 4 : i32
          %add3A_422 = arith.addi %sub3A_269, %add3A_421 : i32
          %mul3A_423 = arith.constant 80 : i32
          %mul3A_424 = arith.muli %add3A_422, %mul3A_423 : i32
          %dma_start3A_425 = arith.constant 3 : i32
          %dma_start3A_426 = arith.constant 3 : i32
          %dma_start3A_427 = arith.constant 0 : i32
          %dma_start3A_428 = arith.constant 0 : i32
          %dma_start3A_429 = tpu.memref_slice %arg6[%dma_start3A_425, %dma_start3A_427, %dma_start3A_428] : memref<4x80x128xf32, #tpu.memory_space<vmem>> -> memref<1x80x128xf32, #tpu.memory_space<vmem>>
          %dma_start3A_430 = tpu.memref_squeeze %dma_start3A_429 : memref<1x80x128xf32, #tpu.memory_space<vmem>> -> memref<80x128xf32, #tpu.memory_space<vmem>>
          %dma_start3A_431 = tpu.memref_slice %arg5[%mul3A_424] : memref<25600xi32, #tpu.memory_space<vmem>> -> memref<80xi32, #tpu.memory_space<vmem>>
          %dma_start3A_432 = arith.constant 0 : i32
          %dma_start3A_433 = arith.constant 0 : i32
          %dma_start3A_434 = tpu.memref_slice %arg3[%dma_start3A_432, %dma_start3A_433] : memref<100000x128xf32, #tpu.memory_space<hbm>> -> memref<100000x128xf32, #tpu.memory_space<hbm>>
          %dma_start3A_435 = tpu.memref_slice %arg8[%dma_start3A_426] : memref<4x!tpu.dma_semaphore, #tpu.memory_space<semaphore_mem>> -> memref<1x!tpu.dma_semaphore, #tpu.memory_space<semaphore_mem>>
          %dma_start3A_436 = tpu.memref_squeeze %dma_start3A_435 : memref<1x!tpu.dma_semaphore, #tpu.memory_space<semaphore_mem>> -> memref<!tpu.dma_semaphore, #tpu.memory_space<semaphore_mem>>
          tpu.enqueue_indirect_dma source(%dma_start3A_434 : memref<100000x128xf32, #tpu.memory_space<hbm>>) target(%dma_start3A_430 : memref<80x128xf32, #tpu.memory_space<vmem>>) offsets(%dma_start3A_431 : memref<80xi32, #tpu.memory_space<vmem>>) semaphore(%dma_start3A_436 : memref<!tpu.dma_semaphore, #tpu.memory_space<semaphore_mem>>)
        } else {
        }
      } else {
      }
      %mul3A_275 = arith.constant 4 : i32
      %mul3A_276 = arith.muli %scan3A_172, %mul3A_275 : i32
      %add3A_277 = arith.constant 2 : i32
      %add3A_278 = arith.addi %mul3A_276, %add3A_277 : i32
      %mul3A_279 = arith.constant 80 : i32
      %mul3A_280 = arith.muli %add3A_278, %mul3A_279 : i32
      %add3A_281 = arith.addi %mul3A_2, %mul3A_280 : i32
      %dma_wait3A_282 = arith.constant 2 : i32
      %dma_wait3A_283 = arith.constant 2 : i32
      %dma_wait3A_284 = arith.constant 0 : i32
      %dma_wait3A_285 = arith.constant 0 : i32
      %dma_wait3A_286 = tpu.memref_slice %arg6[%dma_wait3A_282, %dma_wait3A_284, %dma_wait3A_285] : memref<4x80x128xf32, #tpu.memory_space<vmem>> -> memref<1x80x128xf32, #tpu.memory_space<vmem>>
      %dma_wait3A_287 = tpu.memref_squeeze %dma_wait3A_286 : memref<1x80x128xf32, #tpu.memory_space<vmem>> -> memref<80x128xf32, #tpu.memory_space<vmem>>
      %dma_wait3A_288 = arith.constant 160 : i32
      %dma_wait3A_289 = tpu.memref_slice %arg5[%dma_wait3A_288] : memref<25600xi32, #tpu.memory_space<vmem>> -> memref<80xi32, #tpu.memory_space<vmem>>
      %dma_wait3A_290 = arith.constant 0 : i32
      %dma_wait3A_291 = arith.constant 0 : i32
      %dma_wait3A_292 = tpu.memref_slice %arg3[%dma_wait3A_290, %dma_wait3A_291] : memref<100000x128xf32, #tpu.memory_space<hbm>> -> memref<100000x128xf32, #tpu.memory_space<hbm>>
      %dma_wait3A_293 = tpu.memref_slice %arg8[%dma_wait3A_283] : memref<4x!tpu.dma_semaphore, #tpu.memory_space<semaphore_mem>> -> memref<1x!tpu.dma_semaphore, #tpu.memory_space<semaphore_mem>>
      %dma_wait3A_294 = tpu.memref_squeeze %dma_wait3A_293 : memref<1x!tpu.dma_semaphore, #tpu.memory_space<semaphore_mem>> -> memref<!tpu.dma_semaphore, #tpu.memory_space<semaphore_mem>>
      tpu.wait_indirect_dma semaphore(%dma_wait3A_294 : memref<!tpu.dma_semaphore, #tpu.memory_space<semaphore_mem>>) src(%dma_wait3A_292 : memref<100000x128xf32, #tpu.memory_space<hbm>>) dst(%dma_wait3A_287 : memref<80x128xf32, #tpu.memory_space<vmem>>)
      %ge3A_295 = arith.constant 4 : i32
      %ge3A_296 = arith.cmpi sge, %add3A_278, %ge3A_295 : i32
      %convert_element_type3A_297 = arith.extui %ge3A_296 : i1 to i32
      %cond3A_298 = arith.constant 0 : i32
      %cond3A_299 = arith.cmpi ne, %convert_element_type3A_297, %cond3A_298 : i32
      scf.if %cond3A_299 {
        %sub3A_381 = arith.constant 320 : i32
        %sub3A_382 = arith.subi %add3A_281, %sub3A_381 : i32
        %dma_wait3A_383 = arith.constant 2 : i32
        %dma_wait3A_384 = arith.constant 2 : i32
        %dma_wait3A_385 = tpu.memref_slice %arg10[%dma_wait3A_384] : memref<4x!tpu.dma_semaphore, #tpu.memory_space<semaphore_mem>> -> memref<1x!tpu.dma_semaphore, #tpu.memory_space<semaphore_mem>>
        %dma_wait3A_386 = tpu.memref_squeeze %dma_wait3A_385 : memref<1x!tpu.dma_semaphore, #tpu.memory_space<semaphore_mem>> -> memref<!tpu.dma_semaphore, #tpu.memory_space<semaphore_mem>>
        %dma_wait3A_387 = arith.constant 0 : i32
        %dma_wait3A_388 = tpu.memref_slice %arg4[%sub3A_382, %dma_wait3A_387] : memref<819200x128xf32, #tpu.memory_space<hbm>> -> memref<80x128xf32, #tpu.memory_space<hbm>>
        %dma_wait3A_389 = arith.constant 0 : i32
        %dma_wait3A_390 = arith.constant 0 : i32
        %dma_wait3A_391 = tpu.memref_slice %arg7[%arg1, %dma_wait3A_383, %dma_wait3A_389, %dma_wait3A_390] : memref<16x4x80x128xf32, #tpu.memory_space<vmem_shared>> -> memref<1x1x80x128xf32, #tpu.memory_space<vmem_shared>>
        %dma_wait3A_392 = tpu.memref_squeeze %dma_wait3A_391 : memref<1x1x80x128xf32, #tpu.memory_space<vmem_shared>> -> memref<80x128xf32, #tpu.memory_space<vmem_shared>>
        tpu.wait_dma2 semaphore(%dma_wait3A_386 : memref<!tpu.dma_semaphore, #tpu.memory_space<semaphore_mem>>) src(%dma_wait3A_392 : memref<80x128xf32, #tpu.memory_space<vmem_shared>>) dst(%dma_wait3A_388 : memref<80x128xf32, #tpu.memory_space<hbm>>)
      } else {
      }
      %dma_start3A_300 = arith.constant 2 : i32
      %dma_start3A_301 = arith.constant 2 : i32
      %dma_start3A_302 = arith.constant 2 : i32
      %dma_start3A_303 = arith.constant 0 : i32
      %dma_start3A_304 = arith.constant 0 : i32
      %dma_start3A_305 = tpu.memref_slice %arg6[%dma_start3A_300, %dma_start3A_303, %dma_start3A_304] : memref<4x80x128xf32, #tpu.memory_space<vmem>> -> memref<1x80x128xf32, #tpu.memory_space<vmem>>
      %dma_start3A_306 = tpu.memref_squeeze %dma_start3A_305 : memref<1x80x128xf32, #tpu.memory_space<vmem>> -> memref<80x128xf32, #tpu.memory_space<vmem>>
      %dma_start3A_307 = arith.constant 0 : i32
      %dma_start3A_308 = arith.constant 0 : i32
      %dma_start3A_309 = tpu.memref_slice %arg7[%arg1, %dma_start3A_301, %dma_start3A_307, %dma_start3A_308] : memref<16x4x80x128xf32, #tpu.memory_space<vmem_shared>> -> memref<1x1x80x128xf32, #tpu.memory_space<vmem_shared>>
      %dma_start3A_310 = tpu.memref_squeeze %dma_start3A_309 : memref<1x1x80x128xf32, #tpu.memory_space<vmem_shared>> -> memref<80x128xf32, #tpu.memory_space<vmem_shared>>
      %dma_start3A_311 = tpu.memref_slice %arg9[%dma_start3A_302] : memref<4x!tpu.dma_semaphore, #tpu.memory_space<semaphore_mem>> -> memref<1x!tpu.dma_semaphore, #tpu.memory_space<semaphore_mem>>
      %dma_start3A_312 = tpu.memref_squeeze %dma_start3A_311 : memref<1x!tpu.dma_semaphore, #tpu.memory_space<semaphore_mem>> -> memref<!tpu.dma_semaphore, #tpu.memory_space<semaphore_mem>>
      %dma_start3A_313 = arith.constant 0 : i32
      %dma_start3A_314 = arith.constant 0 : i32
      %dma_start3A_315 = tpu.memref_slice %arg7[%arg1, %dma_start3A_301, %dma_start3A_313, %dma_start3A_314] : memref<16x4x80x128xf32, #tpu.memory_space<vmem_shared>> -> memref<1x1x80x128xf32, #tpu.memory_space<vmem_shared>>
      %dma_start3A_316 = tpu.memref_squeeze %dma_start3A_315 : memref<1x1x80x128xf32, #tpu.memory_space<vmem_shared>> -> memref<80x128xf32, #tpu.memory_space<vmem_shared>>
      %dma_start3A_317 = arith.constant 0 : i32
      %dma_start3A_318 = arith.constant 0 : i32
      %dma_start3A_319 = tpu.memref_slice %arg6[%dma_start3A_300, %dma_start3A_317, %dma_start3A_318] : memref<4x80x128xf32, #tpu.memory_space<vmem>> -> memref<1x80x128xf32, #tpu.memory_space<vmem>>
      %dma_start3A_320 = tpu.memref_squeeze %dma_start3A_319 : memref<1x80x128xf32, #tpu.memory_space<vmem>> -> memref<80x128xf32, #tpu.memory_space<vmem>>
      tpu.enqueue_dma source(%dma_start3A_320 : memref<80x128xf32, #tpu.memory_space<vmem>>) target(%dma_start3A_316 : memref<80x128xf32, #tpu.memory_space<vmem_shared>>) target_semaphore(%dma_start3A_312 : memref<!tpu.dma_semaphore, #tpu.memory_space<semaphore_mem>>)
      %sub3A_321 = arith.constant 2 : i32
      %sub3A_322 = arith.subi %add3A_278, %sub3A_321 : i32
      %ge3A_323 = arith.constant 0 : i32
      %ge3A_324 = arith.cmpi sge, %sub3A_322, %ge3A_323 : i32
      %convert_element_type3A_325 = arith.extui %ge3A_324 : i1 to i32
      %cond3A_326 = arith.constant 0 : i32
      %cond3A_327 = arith.cmpi ne, %convert_element_type3A_325, %cond3A_326 : i32
      scf.if %cond3A_327 {
        %mul3A_381 = arith.constant 80 : i32
        %mul3A_382 = arith.muli %sub3A_322, %mul3A_381 : i32
        %add3A_383 = arith.addi %mul3A_2, %mul3A_382 : i32
        %dma_wait3A_384 = arith.constant 0 : i32
        %dma_wait3A_385 = arith.constant 0 : i32
        %dma_wait3A_386 = arith.constant 0 : i32
        %dma_wait3A_387 = arith.constant 0 : i32
        %dma_wait3A_388 = arith.constant 0 : i32
        %dma_wait3A_389 = tpu.memref_slice %arg6[%dma_wait3A_384, %dma_wait3A_387, %dma_wait3A_388] : memref<4x80x128xf32, #tpu.memory_space<vmem>> -> memref<1x80x128xf32, #tpu.memory_space<vmem>>
        %dma_wait3A_390 = tpu.memref_squeeze %dma_wait3A_389 : memref<1x80x128xf32, #tpu.memory_space<vmem>> -> memref<80x128xf32, #tpu.memory_space<vmem>>
        %dma_wait3A_391 = arith.constant 0 : i32
        %dma_wait3A_392 = arith.constant 0 : i32
        %dma_wait3A_393 = tpu.memref_slice %arg7[%arg1, %dma_wait3A_385, %dma_wait3A_391, %dma_wait3A_392] : memref<16x4x80x128xf32, #tpu.memory_space<vmem_shared>> -> memref<1x1x80x128xf32, #tpu.memory_space<vmem_shared>>
        %dma_wait3A_394 = tpu.memref_squeeze %dma_wait3A_393 : memref<1x1x80x128xf32, #tpu.memory_space<vmem_shared>> -> memref<80x128xf32, #tpu.memory_space<vmem_shared>>
        %dma_wait3A_395 = tpu.memref_slice %arg9[%dma_wait3A_386] : memref<4x!tpu.dma_semaphore, #tpu.memory_space<semaphore_mem>> -> memref<1x!tpu.dma_semaphore, #tpu.memory_space<semaphore_mem>>
        %dma_wait3A_396 = tpu.memref_squeeze %dma_wait3A_395 : memref<1x!tpu.dma_semaphore, #tpu.memory_space<semaphore_mem>> -> memref<!tpu.dma_semaphore, #tpu.memory_space<semaphore_mem>>
        %dma_wait3A_397 = arith.constant 0 : i32
        %dma_wait3A_398 = arith.constant 0 : i32
        %dma_wait3A_399 = tpu.memref_slice %arg7[%arg1, %dma_wait3A_385, %dma_wait3A_397, %dma_wait3A_398] : memref<16x4x80x128xf32, #tpu.memory_space<vmem_shared>> -> memref<1x1x80x128xf32, #tpu.memory_space<vmem_shared>>
        %dma_wait3A_400 = tpu.memref_squeeze %dma_wait3A_399 : memref<1x1x80x128xf32, #tpu.memory_space<vmem_shared>> -> memref<80x128xf32, #tpu.memory_space<vmem_shared>>
        %dma_wait3A_401 = arith.constant 0 : i32
        %dma_wait3A_402 = arith.constant 0 : i32
        %dma_wait3A_403 = tpu.memref_slice %arg6[%dma_wait3A_384, %dma_wait3A_401, %dma_wait3A_402] : memref<4x80x128xf32, #tpu.memory_space<vmem>> -> memref<1x80x128xf32, #tpu.memory_space<vmem>>
        %dma_wait3A_404 = tpu.memref_squeeze %dma_wait3A_403 : memref<1x80x128xf32, #tpu.memory_space<vmem>> -> memref<80x128xf32, #tpu.memory_space<vmem>>
        tpu.wait_dma2 semaphore(%dma_wait3A_396 : memref<!tpu.dma_semaphore, #tpu.memory_space<semaphore_mem>>) src(%dma_wait3A_404 : memref<80x128xf32, #tpu.memory_space<vmem>>) dst(%dma_wait3A_400 : memref<80x128xf32, #tpu.memory_space<vmem_shared>>)
        %dma_start3A_405 = arith.constant 0 : i32
        %dma_start3A_406 = arith.constant 0 : i32
        %dma_start3A_407 = tpu.memref_slice %arg10[%dma_start3A_406] : memref<4x!tpu.dma_semaphore, #tpu.memory_space<semaphore_mem>> -> memref<1x!tpu.dma_semaphore, #tpu.memory_space<semaphore_mem>>
        %dma_start3A_408 = tpu.memref_squeeze %dma_start3A_407 : memref<1x!tpu.dma_semaphore, #tpu.memory_space<semaphore_mem>> -> memref<!tpu.dma_semaphore, #tpu.memory_space<semaphore_mem>>
        %dma_start3A_409 = arith.constant 0 : i32
        %dma_start3A_410 = tpu.memref_slice %arg4[%add3A_383, %dma_start3A_409] : memref<819200x128xf32, #tpu.memory_space<hbm>> -> memref<80x128xf32, #tpu.memory_space<hbm>>
        %dma_start3A_411 = arith.constant 0 : i32
        %dma_start3A_412 = arith.constant 0 : i32
        %dma_start3A_413 = tpu.memref_slice %arg7[%arg1, %dma_start3A_405, %dma_start3A_411, %dma_start3A_412] : memref<16x4x80x128xf32, #tpu.memory_space<vmem_shared>> -> memref<1x1x80x128xf32, #tpu.memory_space<vmem_shared>>
        %dma_start3A_414 = tpu.memref_squeeze %dma_start3A_413 : memref<1x1x80x128xf32, #tpu.memory_space<vmem_shared>> -> memref<80x128xf32, #tpu.memory_space<vmem_shared>>
        tpu.enqueue_dma source(%dma_start3A_414 : memref<80x128xf32, #tpu.memory_space<vmem_shared>>) target(%dma_start3A_410 : memref<80x128xf32, #tpu.memory_space<hbm>>) target_semaphore(%dma_start3A_408 : memref<!tpu.dma_semaphore, #tpu.memory_space<semaphore_mem>>)
        %add3A_415 = arith.constant 4 : i32
        %add3A_416 = arith.addi %sub3A_322, %add3A_415 : i32
        %lt3A = arith.constant 320 : i32
        %lt3A_417 = arith.cmpi slt, %add3A_416, %lt3A : i32
        %convert_element_type3A_418 = arith.extui %lt3A_417 : i1 to i32
        %cond3A_419 = arith.constant 0 : i32
        %cond3A_420 = arith.cmpi ne, %convert_element_type3A_418, %cond3A_419 : i32
        scf.if %cond3A_420 {
          %add3A_421 = arith.constant 4 : i32
          %add3A_422 = arith.addi %sub3A_322, %add3A_421 : i32
          %mul3A_423 = arith.constant 80 : i32
          %mul3A_424 = arith.muli %add3A_422, %mul3A_423 : i32
          %dma_start3A_425 = arith.constant 0 : i32
          %dma_start3A_426 = arith.constant 0 : i32
          %dma_start3A_427 = arith.constant 0 : i32
          %dma_start3A_428 = arith.constant 0 : i32
          %dma_start3A_429 = tpu.memref_slice %arg6[%dma_start3A_425, %dma_start3A_427, %dma_start3A_428] : memref<4x80x128xf32, #tpu.memory_space<vmem>> -> memref<1x80x128xf32, #tpu.memory_space<vmem>>
          %dma_start3A_430 = tpu.memref_squeeze %dma_start3A_429 : memref<1x80x128xf32, #tpu.memory_space<vmem>> -> memref<80x128xf32, #tpu.memory_space<vmem>>
          %dma_start3A_431 = tpu.memref_slice %arg5[%mul3A_424] : memref<25600xi32, #tpu.memory_space<vmem>> -> memref<80xi32, #tpu.memory_space<vmem>>
          %dma_start3A_432 = arith.constant 0 : i32
          %dma_start3A_433 = arith.constant 0 : i32
          %dma_start3A_434 = tpu.memref_slice %arg3[%dma_start3A_432, %dma_start3A_433] : memref<100000x128xf32, #tpu.memory_space<hbm>> -> memref<100000x128xf32, #tpu.memory_space<hbm>>
          %dma_start3A_435 = tpu.memref_slice %arg8[%dma_start3A_426] : memref<4x!tpu.dma_semaphore, #tpu.memory_space<semaphore_mem>> -> memref<1x!tpu.dma_semaphore, #tpu.memory_space<semaphore_mem>>
          %dma_start3A_436 = tpu.memref_squeeze %dma_start3A_435 : memref<1x!tpu.dma_semaphore, #tpu.memory_space<semaphore_mem>> -> memref<!tpu.dma_semaphore, #tpu.memory_space<semaphore_mem>>
          tpu.enqueue_indirect_dma source(%dma_start3A_434 : memref<100000x128xf32, #tpu.memory_space<hbm>>) target(%dma_start3A_430 : memref<80x128xf32, #tpu.memory_space<vmem>>) offsets(%dma_start3A_431 : memref<80xi32, #tpu.memory_space<vmem>>) semaphore(%dma_start3A_436 : memref<!tpu.dma_semaphore, #tpu.memory_space<semaphore_mem>>)
        } else {
        }
      } else {
      }
      %mul3A_328 = arith.constant 4 : i32
      %mul3A_329 = arith.muli %scan3A_172, %mul3A_328 : i32
      %add3A_330 = arith.constant 3 : i32
      %add3A_331 = arith.addi %mul3A_329, %add3A_330 : i32
      %mul3A_332 = arith.constant 80 : i32
      %mul3A_333 = arith.muli %add3A_331, %mul3A_332 : i32
      %add3A_334 = arith.addi %mul3A_2, %mul3A_333 : i32
      %dma_wait3A_335 = arith.constant 3 : i32
      %dma_wait3A_336 = arith.constant 3 : i32
      %dma_wait3A_337 = arith.constant 0 : i32
      %dma_wait3A_338 = arith.constant 0 : i32
      %dma_wait3A_339 = tpu.memref_slice %arg6[%dma_wait3A_335, %dma_wait3A_337, %dma_wait3A_338] : memref<4x80x128xf32, #tpu.memory_space<vmem>> -> memref<1x80x128xf32, #tpu.memory_space<vmem>>
      %dma_wait3A_340 = tpu.memref_squeeze %dma_wait3A_339 : memref<1x80x128xf32, #tpu.memory_space<vmem>> -> memref<80x128xf32, #tpu.memory_space<vmem>>
      %dma_wait3A_341 = arith.constant 240 : i32
      %dma_wait3A_342 = tpu.memref_slice %arg5[%dma_wait3A_341] : memref<25600xi32, #tpu.memory_space<vmem>> -> memref<80xi32, #tpu.memory_space<vmem>>
      %dma_wait3A_343 = arith.constant 0 : i32
      %dma_wait3A_344 = arith.constant 0 : i32
      %dma_wait3A_345 = tpu.memref_slice %arg3[%dma_wait3A_343, %dma_wait3A_344] : memref<100000x128xf32, #tpu.memory_space<hbm>> -> memref<100000x128xf32, #tpu.memory_space<hbm>>
      %dma_wait3A_346 = tpu.memref_slice %arg8[%dma_wait3A_336] : memref<4x!tpu.dma_semaphore, #tpu.memory_space<semaphore_mem>> -> memref<1x!tpu.dma_semaphore, #tpu.memory_space<semaphore_mem>>
      %dma_wait3A_347 = tpu.memref_squeeze %dma_wait3A_346 : memref<1x!tpu.dma_semaphore, #tpu.memory_space<semaphore_mem>> -> memref<!tpu.dma_semaphore, #tpu.memory_space<semaphore_mem>>
      tpu.wait_indirect_dma semaphore(%dma_wait3A_347 : memref<!tpu.dma_semaphore, #tpu.memory_space<semaphore_mem>>) src(%dma_wait3A_345 : memref<100000x128xf32, #tpu.memory_space<hbm>>) dst(%dma_wait3A_340 : memref<80x128xf32, #tpu.memory_space<vmem>>)
      %ge3A_348 = arith.constant 4 : i32
      %ge3A_349 = arith.cmpi sge, %add3A_331, %ge3A_348 : i32
      %convert_element_type3A_350 = arith.extui %ge3A_349 : i1 to i32
      %cond3A_351 = arith.constant 0 : i32
      %cond3A_352 = arith.cmpi ne, %convert_element_type3A_350, %cond3A_351 : i32
      scf.if %cond3A_352 {
        %sub3A_381 = arith.constant 320 : i32
        %sub3A_382 = arith.subi %add3A_334, %sub3A_381 : i32
        %dma_wait3A_383 = arith.constant 3 : i32
        %dma_wait3A_384 = arith.constant 3 : i32
        %dma_wait3A_385 = tpu.memref_slice %arg10[%dma_wait3A_384] : memref<4x!tpu.dma_semaphore, #tpu.memory_space<semaphore_mem>> -> memref<1x!tpu.dma_semaphore, #tpu.memory_space<semaphore_mem>>
        %dma_wait3A_386 = tpu.memref_squeeze %dma_wait3A_385 : memref<1x!tpu.dma_semaphore, #tpu.memory_space<semaphore_mem>> -> memref<!tpu.dma_semaphore, #tpu.memory_space<semaphore_mem>>
        %dma_wait3A_387 = arith.constant 0 : i32
        %dma_wait3A_388 = tpu.memref_slice %arg4[%sub3A_382, %dma_wait3A_387] : memref<819200x128xf32, #tpu.memory_space<hbm>> -> memref<80x128xf32, #tpu.memory_space<hbm>>
        %dma_wait3A_389 = arith.constant 0 : i32
        %dma_wait3A_390 = arith.constant 0 : i32
        %dma_wait3A_391 = tpu.memref_slice %arg7[%arg1, %dma_wait3A_383, %dma_wait3A_389, %dma_wait3A_390] : memref<16x4x80x128xf32, #tpu.memory_space<vmem_shared>> -> memref<1x1x80x128xf32, #tpu.memory_space<vmem_shared>>
        %dma_wait3A_392 = tpu.memref_squeeze %dma_wait3A_391 : memref<1x1x80x128xf32, #tpu.memory_space<vmem_shared>> -> memref<80x128xf32, #tpu.memory_space<vmem_shared>>
        tpu.wait_dma2 semaphore(%dma_wait3A_386 : memref<!tpu.dma_semaphore, #tpu.memory_space<semaphore_mem>>) src(%dma_wait3A_392 : memref<80x128xf32, #tpu.memory_space<vmem_shared>>) dst(%dma_wait3A_388 : memref<80x128xf32, #tpu.memory_space<hbm>>)
      } else {
      }
      %dma_start3A_353 = arith.constant 3 : i32
      %dma_start3A_354 = arith.constant 3 : i32
      %dma_start3A_355 = arith.constant 3 : i32
      %dma_start3A_356 = arith.constant 0 : i32
      %dma_start3A_357 = arith.constant 0 : i32
      %dma_start3A_358 = tpu.memref_slice %arg6[%dma_start3A_353, %dma_start3A_356, %dma_start3A_357] : memref<4x80x128xf32, #tpu.memory_space<vmem>> -> memref<1x80x128xf32, #tpu.memory_space<vmem>>
      %dma_start3A_359 = tpu.memref_squeeze %dma_start3A_358 : memref<1x80x128xf32, #tpu.memory_space<vmem>> -> memref<80x128xf32, #tpu.memory_space<vmem>>
      %dma_start3A_360 = arith.constant 0 : i32
      %dma_start3A_361 = arith.constant 0 : i32
      %dma_start3A_362 = tpu.memref_slice %arg7[%arg1, %dma_start3A_354, %dma_start3A_360, %dma_start3A_361] : memref<16x4x80x128xf32, #tpu.memory_space<vmem_shared>> -> memref<1x1x80x128xf32, #tpu.memory_space<vmem_shared>>
      %dma_start3A_363 = tpu.memref_squeeze %dma_start3A_362 : memref<1x1x80x128xf32, #tpu.memory_space<vmem_shared>> -> memref<80x128xf32, #tpu.memory_space<vmem_shared>>
      %dma_start3A_364 = tpu.memref_slice %arg9[%dma_start3A_355] : memref<4x!tpu.dma_semaphore, #tpu.memory_space<semaphore_mem>> -> memref<1x!tpu.dma_semaphore, #tpu.memory_space<semaphore_mem>>
      %dma_start3A_365 = tpu.memref_squeeze %dma_start3A_364 : memref<1x!tpu.dma_semaphore, #tpu.memory_space<semaphore_mem>> -> memref<!tpu.dma_semaphore, #tpu.memory_space<semaphore_mem>>
      %dma_start3A_366 = arith.constant 0 : i32
      %dma_start3A_367 = arith.constant 0 : i32
      %dma_start3A_368 = tpu.memref_slice %arg7[%arg1, %dma_start3A_354, %dma_start3A_366, %dma_start3A_367] : memref<16x4x80x128xf32, #tpu.memory_space<vmem_shared>> -> memref<1x1x80x128xf32, #tpu.memory_space<vmem_shared>>
      %dma_start3A_369 = tpu.memref_squeeze %dma_start3A_368 : memref<1x1x80x128xf32, #tpu.memory_space<vmem_shared>> -> memref<80x128xf32, #tpu.memory_space<vmem_shared>>
      %dma_start3A_370 = arith.constant 0 : i32
      %dma_start3A_371 = arith.constant 0 : i32
      %dma_start3A_372 = tpu.memref_slice %arg6[%dma_start3A_353, %dma_start3A_370, %dma_start3A_371] : memref<4x80x128xf32, #tpu.memory_space<vmem>> -> memref<1x80x128xf32, #tpu.memory_space<vmem>>
      %dma_start3A_373 = tpu.memref_squeeze %dma_start3A_372 : memref<1x80x128xf32, #tpu.memory_space<vmem>> -> memref<80x128xf32, #tpu.memory_space<vmem>>
      tpu.enqueue_dma source(%dma_start3A_373 : memref<80x128xf32, #tpu.memory_space<vmem>>) target(%dma_start3A_369 : memref<80x128xf32, #tpu.memory_space<vmem_shared>>) target_semaphore(%dma_start3A_365 : memref<!tpu.dma_semaphore, #tpu.memory_space<semaphore_mem>>)
      %sub3A_374 = arith.constant 2 : i32
      %sub3A_375 = arith.subi %add3A_331, %sub3A_374 : i32
      %ge3A_376 = arith.constant 0 : i32
      %ge3A_377 = arith.cmpi sge, %sub3A_375, %ge3A_376 : i32
      %convert_element_type3A_378 = arith.extui %ge3A_377 : i1 to i32
      %cond3A_379 = arith.constant 0 : i32
      %cond3A_380 = arith.cmpi ne, %convert_element_type3A_378, %cond3A_379 : i32
      scf.if %cond3A_380 {
        %mul3A_381 = arith.constant 80 : i32
        %mul3A_382 = arith.muli %sub3A_375, %mul3A_381 : i32
        %add3A_383 = arith.addi %mul3A_2, %mul3A_382 : i32
        %dma_wait3A_384 = arith.constant 1 : i32
        %dma_wait3A_385 = arith.constant 1 : i32
        %dma_wait3A_386 = arith.constant 1 : i32
        %dma_wait3A_387 = arith.constant 0 : i32
        %dma_wait3A_388 = arith.constant 0 : i32
        %dma_wait3A_389 = tpu.memref_slice %arg6[%dma_wait3A_384, %dma_wait3A_387, %dma_wait3A_388] : memref<4x80x128xf32, #tpu.memory_space<vmem>> -> memref<1x80x128xf32, #tpu.memory_space<vmem>>
        %dma_wait3A_390 = tpu.memref_squeeze %dma_wait3A_389 : memref<1x80x128xf32, #tpu.memory_space<vmem>> -> memref<80x128xf32, #tpu.memory_space<vmem>>
        %dma_wait3A_391 = arith.constant 0 : i32
        %dma_wait3A_392 = arith.constant 0 : i32
        %dma_wait3A_393 = tpu.memref_slice %arg7[%arg1, %dma_wait3A_385, %dma_wait3A_391, %dma_wait3A_392] : memref<16x4x80x128xf32, #tpu.memory_space<vmem_shared>> -> memref<1x1x80x128xf32, #tpu.memory_space<vmem_shared>>
        %dma_wait3A_394 = tpu.memref_squeeze %dma_wait3A_393 : memref<1x1x80x128xf32, #tpu.memory_space<vmem_shared>> -> memref<80x128xf32, #tpu.memory_space<vmem_shared>>
        %dma_wait3A_395 = tpu.memref_slice %arg9[%dma_wait3A_386] : memref<4x!tpu.dma_semaphore, #tpu.memory_space<semaphore_mem>> -> memref<1x!tpu.dma_semaphore, #tpu.memory_space<semaphore_mem>>
        %dma_wait3A_396 = tpu.memref_squeeze %dma_wait3A_395 : memref<1x!tpu.dma_semaphore, #tpu.memory_space<semaphore_mem>> -> memref<!tpu.dma_semaphore, #tpu.memory_space<semaphore_mem>>
        %dma_wait3A_397 = arith.constant 0 : i32
        %dma_wait3A_398 = arith.constant 0 : i32
        %dma_wait3A_399 = tpu.memref_slice %arg7[%arg1, %dma_wait3A_385, %dma_wait3A_397, %dma_wait3A_398] : memref<16x4x80x128xf32, #tpu.memory_space<vmem_shared>> -> memref<1x1x80x128xf32, #tpu.memory_space<vmem_shared>>
        %dma_wait3A_400 = tpu.memref_squeeze %dma_wait3A_399 : memref<1x1x80x128xf32, #tpu.memory_space<vmem_shared>> -> memref<80x128xf32, #tpu.memory_space<vmem_shared>>
        %dma_wait3A_401 = arith.constant 0 : i32
        %dma_wait3A_402 = arith.constant 0 : i32
        %dma_wait3A_403 = tpu.memref_slice %arg6[%dma_wait3A_384, %dma_wait3A_401, %dma_wait3A_402] : memref<4x80x128xf32, #tpu.memory_space<vmem>> -> memref<1x80x128xf32, #tpu.memory_space<vmem>>
        %dma_wait3A_404 = tpu.memref_squeeze %dma_wait3A_403 : memref<1x80x128xf32, #tpu.memory_space<vmem>> -> memref<80x128xf32, #tpu.memory_space<vmem>>
        tpu.wait_dma2 semaphore(%dma_wait3A_396 : memref<!tpu.dma_semaphore, #tpu.memory_space<semaphore_mem>>) src(%dma_wait3A_404 : memref<80x128xf32, #tpu.memory_space<vmem>>) dst(%dma_wait3A_400 : memref<80x128xf32, #tpu.memory_space<vmem_shared>>)
        %dma_start3A_405 = arith.constant 1 : i32
        %dma_start3A_406 = arith.constant 1 : i32
        %dma_start3A_407 = tpu.memref_slice %arg10[%dma_start3A_406] : memref<4x!tpu.dma_semaphore, #tpu.memory_space<semaphore_mem>> -> memref<1x!tpu.dma_semaphore, #tpu.memory_space<semaphore_mem>>
        %dma_start3A_408 = tpu.memref_squeeze %dma_start3A_407 : memref<1x!tpu.dma_semaphore, #tpu.memory_space<semaphore_mem>> -> memref<!tpu.dma_semaphore, #tpu.memory_space<semaphore_mem>>
        %dma_start3A_409 = arith.constant 0 : i32
        %dma_start3A_410 = tpu.memref_slice %arg4[%add3A_383, %dma_start3A_409] : memref<819200x128xf32, #tpu.memory_space<hbm>> -> memref<80x128xf32, #tpu.memory_space<hbm>>
        %dma_start3A_411 = arith.constant 0 : i32
        %dma_start3A_412 = arith.constant 0 : i32
        %dma_start3A_413 = tpu.memref_slice %arg7[%arg1, %dma_start3A_405, %dma_start3A_411, %dma_start3A_412] : memref<16x4x80x128xf32, #tpu.memory_space<vmem_shared>> -> memref<1x1x80x128xf32, #tpu.memory_space<vmem_shared>>
        %dma_start3A_414 = tpu.memref_squeeze %dma_start3A_413 : memref<1x1x80x128xf32, #tpu.memory_space<vmem_shared>> -> memref<80x128xf32, #tpu.memory_space<vmem_shared>>
        tpu.enqueue_dma source(%dma_start3A_414 : memref<80x128xf32, #tpu.memory_space<vmem_shared>>) target(%dma_start3A_410 : memref<80x128xf32, #tpu.memory_space<hbm>>) target_semaphore(%dma_start3A_408 : memref<!tpu.dma_semaphore, #tpu.memory_space<semaphore_mem>>)
        %add3A_415 = arith.constant 4 : i32
        %add3A_416 = arith.addi %sub3A_375, %add3A_415 : i32
        %lt3A = arith.constant 320 : i32
        %lt3A_417 = arith.cmpi slt, %add3A_416, %lt3A : i32
        %convert_element_type3A_418 = arith.extui %lt3A_417 : i1 to i32
        %cond3A_419 = arith.constant 0 : i32
        %cond3A_420 = arith.cmpi ne, %convert_element_type3A_418, %cond3A_419 : i32
        scf.if %cond3A_420 {
          %add3A_421 = arith.constant 4 : i32
          %add3A_422 = arith.addi %sub3A_375, %add3A_421 : i32
          %mul3A_423 = arith.constant 80 : i32
          %mul3A_424 = arith.muli %add3A_422, %mul3A_423 : i32
          %dma_start3A_425 = arith.constant 1 : i32
          %dma_start3A_426 = arith.constant 1 : i32
          %dma_start3A_427 = arith.constant 0 : i32
          %dma_start3A_428 = arith.constant 0 : i32
          %dma_start3A_429 = tpu.memref_slice %arg6[%dma_start3A_425, %dma_start3A_427, %dma_start3A_428] : memref<4x80x128xf32, #tpu.memory_space<vmem>> -> memref<1x80x128xf32, #tpu.memory_space<vmem>>
          %dma_start3A_430 = tpu.memref_squeeze %dma_start3A_429 : memref<1x80x128xf32, #tpu.memory_space<vmem>> -> memref<80x128xf32, #tpu.memory_space<vmem>>
          %dma_start3A_431 = tpu.memref_slice %arg5[%mul3A_424] : memref<25600xi32, #tpu.memory_space<vmem>> -> memref<80xi32, #tpu.memory_space<vmem>>
          %dma_start3A_432 = arith.constant 0 : i32
          %dma_start3A_433 = arith.constant 0 : i32
          %dma_start3A_434 = tpu.memref_slice %arg3[%dma_start3A_432, %dma_start3A_433] : memref<100000x128xf32, #tpu.memory_space<hbm>> -> memref<100000x128xf32, #tpu.memory_space<hbm>>
          %dma_start3A_435 = tpu.memref_slice %arg8[%dma_start3A_426] : memref<4x!tpu.dma_semaphore, #tpu.memory_space<semaphore_mem>> -> memref<1x!tpu.dma_semaphore, #tpu.memory_space<semaphore_mem>>
          %dma_start3A_436 = tpu.memref_squeeze %dma_start3A_435 : memref<1x!tpu.dma_semaphore, #tpu.memory_space<semaphore_mem>> -> memref<!tpu.dma_semaphore, #tpu.memory_space<semaphore_mem>>
          tpu.enqueue_indirect_dma source(%dma_start3A_434 : memref<100000x128xf32, #tpu.memory_space<hbm>>) target(%dma_start3A_430 : memref<80x128xf32, #tpu.memory_space<vmem>>) offsets(%dma_start3A_431 : memref<80xi32, #tpu.memory_space<vmem>>) semaphore(%dma_start3A_436 : memref<!tpu.dma_semaphore, #tpu.memory_space<semaphore_mem>>)
        } else {
        }
      } else {
      }
    }
    %scan3A_58 = arith.constant 80 : i32
    %add3A_59 = arith.constant 25440 : i32
    %add3A_60 = arith.addi %mul3A_2, %add3A_59 : i32
    %dma_wait3A = arith.constant 2 : i32
    %dma_wait3A_61 = arith.constant 2 : i32
    %dma_wait3A_62 = arith.constant 2 : i32
    %dma_wait3A_63 = arith.constant 0 : i32
    %dma_wait3A_64 = arith.constant 0 : i32
    %dma_wait3A_65 = tpu.memref_slice %arg6[%dma_wait3A, %dma_wait3A_63, %dma_wait3A_64] : memref<4x80x128xf32, #tpu.memory_space<vmem>> -> memref<1x80x128xf32, #tpu.memory_space<vmem>>
    %dma_wait3A_66 = tpu.memref_squeeze %dma_wait3A_65 : memref<1x80x128xf32, #tpu.memory_space<vmem>> -> memref<80x128xf32, #tpu.memory_space<vmem>>
    %dma_wait3A_67 = arith.constant 0 : i32
    %dma_wait3A_68 = arith.constant 0 : i32
    %dma_wait3A_69 = tpu.memref_slice %arg7[%arg1, %dma_wait3A_61, %dma_wait3A_67, %dma_wait3A_68] : memref<16x4x80x128xf32, #tpu.memory_space<vmem_shared>> -> memref<1x1x80x128xf32, #tpu.memory_space<vmem_shared>>
    %dma_wait3A_70 = tpu.memref_squeeze %dma_wait3A_69 : memref<1x1x80x128xf32, #tpu.memory_space<vmem_shared>> -> memref<80x128xf32, #tpu.memory_space<vmem_shared>>
    %dma_wait3A_71 = tpu.memref_slice %arg9[%dma_wait3A_62] : memref<4x!tpu.dma_semaphore, #tpu.memory_space<semaphore_mem>> -> memref<1x!tpu.dma_semaphore, #tpu.memory_space<semaphore_mem>>
    %dma_wait3A_72 = tpu.memref_squeeze %dma_wait3A_71 : memref<1x!tpu.dma_semaphore, #tpu.memory_space<semaphore_mem>> -> memref<!tpu.dma_semaphore, #tpu.memory_space<semaphore_mem>>
    %dma_wait3A_73 = arith.constant 0 : i32
    %dma_wait3A_74 = arith.constant 0 : i32
    %dma_wait3A_75 = tpu.memref_slice %arg7[%arg1, %dma_wait3A_61, %dma_wait3A_73, %dma_wait3A_74] : memref<16x4x80x128xf32, #tpu.memory_space<vmem_shared>> -> memref<1x1x80x128xf32, #tpu.memory_space<vmem_shared>>
    %dma_wait3A_76 = tpu.memref_squeeze %dma_wait3A_75 : memref<1x1x80x128xf32, #tpu.memory_space<vmem_shared>> -> memref<80x128xf32, #tpu.memory_space<vmem_shared>>
    %dma_wait3A_77 = arith.constant 0 : i32
    %dma_wait3A_78 = arith.constant 0 : i32
    %dma_wait3A_79 = tpu.memref_slice %arg6[%dma_wait3A, %dma_wait3A_77, %dma_wait3A_78] : memref<4x80x128xf32, #tpu.memory_space<vmem>> -> memref<1x80x128xf32, #tpu.memory_space<vmem>>
    %dma_wait3A_80 = tpu.memref_squeeze %dma_wait3A_79 : memref<1x80x128xf32, #tpu.memory_space<vmem>> -> memref<80x128xf32, #tpu.memory_space<vmem>>
    tpu.wait_dma2 semaphore(%dma_wait3A_72 : memref<!tpu.dma_semaphore, #tpu.memory_space<semaphore_mem>>) src(%dma_wait3A_80 : memref<80x128xf32, #tpu.memory_space<vmem>>) dst(%dma_wait3A_76 : memref<80x128xf32, #tpu.memory_space<vmem_shared>>)
    %dma_start3A_81 = arith.constant 2 : i32
    %dma_start3A_82 = arith.constant 2 : i32
    %dma_start3A_83 = tpu.memref_slice %arg10[%dma_start3A_82] : memref<4x!tpu.dma_semaphore, #tpu.memory_space<semaphore_mem>> -> memref<1x!tpu.dma_semaphore, #tpu.memory_space<semaphore_mem>>
    %dma_start3A_84 = tpu.memref_squeeze %dma_start3A_83 : memref<1x!tpu.dma_semaphore, #tpu.memory_space<semaphore_mem>> -> memref<!tpu.dma_semaphore, #tpu.memory_space<semaphore_mem>>
    %dma_start3A_85 = arith.constant 0 : i32
    %dma_start3A_86 = tpu.memref_slice %arg4[%add3A_60, %dma_start3A_85] : memref<819200x128xf32, #tpu.memory_space<hbm>> -> memref<80x128xf32, #tpu.memory_space<hbm>>
    %dma_start3A_87 = arith.constant 0 : i32
    %dma_start3A_88 = arith.constant 0 : i32
    %dma_start3A_89 = tpu.memref_slice %arg7[%arg1, %dma_start3A_81, %dma_start3A_87, %dma_start3A_88] : memref<16x4x80x128xf32, #tpu.memory_space<vmem_shared>> -> memref<1x1x80x128xf32, #tpu.memory_space<vmem_shared>>
    %dma_start3A_90 = tpu.memref_squeeze %dma_start3A_89 : memref<1x1x80x128xf32, #tpu.memory_space<vmem_shared>> -> memref<80x128xf32, #tpu.memory_space<vmem_shared>>
    tpu.enqueue_dma source(%dma_start3A_90 : memref<80x128xf32, #tpu.memory_space<vmem_shared>>) target(%dma_start3A_86 : memref<80x128xf32, #tpu.memory_space<hbm>>) target_semaphore(%dma_start3A_84 : memref<!tpu.dma_semaphore, #tpu.memory_space<semaphore_mem>>)
    %add3A_91 = arith.constant 25520 : i32
    %add3A_92 = arith.addi %mul3A_2, %add3A_91 : i32
    %dma_wait3A_93 = arith.constant 3 : i32
    %dma_wait3A_94 = arith.constant 3 : i32
    %dma_wait3A_95 = arith.constant 3 : i32
    %dma_wait3A_96 = arith.constant 0 : i32
    %dma_wait3A_97 = arith.constant 0 : i32
    %dma_wait3A_98 = tpu.memref_slice %arg6[%dma_wait3A_93, %dma_wait3A_96, %dma_wait3A_97] : memref<4x80x128xf32, #tpu.memory_space<vmem>> -> memref<1x80x128xf32, #tpu.memory_space<vmem>>
    %dma_wait3A_99 = tpu.memref_squeeze %dma_wait3A_98 : memref<1x80x128xf32, #tpu.memory_space<vmem>> -> memref<80x128xf32, #tpu.memory_space<vmem>>
    %dma_wait3A_100 = arith.constant 0 : i32
    %dma_wait3A_101 = arith.constant 0 : i32
    %dma_wait3A_102 = tpu.memref_slice %arg7[%arg1, %dma_wait3A_94, %dma_wait3A_100, %dma_wait3A_101] : memref<16x4x80x128xf32, #tpu.memory_space<vmem_shared>> -> memref<1x1x80x128xf32, #tpu.memory_space<vmem_shared>>
    %dma_wait3A_103 = tpu.memref_squeeze %dma_wait3A_102 : memref<1x1x80x128xf32, #tpu.memory_space<vmem_shared>> -> memref<80x128xf32, #tpu.memory_space<vmem_shared>>
    %dma_wait3A_104 = tpu.memref_slice %arg9[%dma_wait3A_95] : memref<4x!tpu.dma_semaphore, #tpu.memory_space<semaphore_mem>> -> memref<1x!tpu.dma_semaphore, #tpu.memory_space<semaphore_mem>>
    %dma_wait3A_105 = tpu.memref_squeeze %dma_wait3A_104 : memref<1x!tpu.dma_semaphore, #tpu.memory_space<semaphore_mem>> -> memref<!tpu.dma_semaphore, #tpu.memory_space<semaphore_mem>>
    %dma_wait3A_106 = arith.constant 0 : i32
    %dma_wait3A_107 = arith.constant 0 : i32
    %dma_wait3A_108 = tpu.memref_slice %arg7[%arg1, %dma_wait3A_94, %dma_wait3A_106, %dma_wait3A_107] : memref<16x4x80x128xf32, #tpu.memory_space<vmem_shared>> -> memref<1x1x80x128xf32, #tpu.memory_space<vmem_shared>>
    %dma_wait3A_109 = tpu.memref_squeeze %dma_wait3A_108 : memref<1x1x80x128xf32, #tpu.memory_space<vmem_shared>> -> memref<80x128xf32, #tpu.memory_space<vmem_shared>>
    %dma_wait3A_110 = arith.constant 0 : i32
    %dma_wait3A_111 = arith.constant 0 : i32
    %dma_wait3A_112 = tpu.memref_slice %arg6[%dma_wait3A_93, %dma_wait3A_110, %dma_wait3A_111] : memref<4x80x128xf32, #tpu.memory_space<vmem>> -> memref<1x80x128xf32, #tpu.memory_space<vmem>>
    %dma_wait3A_113 = tpu.memref_squeeze %dma_wait3A_112 : memref<1x80x128xf32, #tpu.memory_space<vmem>> -> memref<80x128xf32, #tpu.memory_space<vmem>>
    tpu.wait_dma2 semaphore(%dma_wait3A_105 : memref<!tpu.dma_semaphore, #tpu.memory_space<semaphore_mem>>) src(%dma_wait3A_113 : memref<80x128xf32, #tpu.memory_space<vmem>>) dst(%dma_wait3A_109 : memref<80x128xf32, #tpu.memory_space<vmem_shared>>)
    %dma_start3A_114 = arith.constant 3 : i32
    %dma_start3A_115 = arith.constant 3 : i32
    %dma_start3A_116 = tpu.memref_slice %arg10[%dma_start3A_115] : memref<4x!tpu.dma_semaphore, #tpu.memory_space<semaphore_mem>> -> memref<1x!tpu.dma_semaphore, #tpu.memory_space<semaphore_mem>>
    %dma_start3A_117 = tpu.memref_squeeze %dma_start3A_116 : memref<1x!tpu.dma_semaphore, #tpu.memory_space<semaphore_mem>> -> memref<!tpu.dma_semaphore, #tpu.memory_space<semaphore_mem>>
    %dma_start3A_118 = arith.constant 0 : i32
    %dma_start3A_119 = tpu.memref_slice %arg4[%add3A_92, %dma_start3A_118] : memref<819200x128xf32, #tpu.memory_space<hbm>> -> memref<80x128xf32, #tpu.memory_space<hbm>>
    %dma_start3A_120 = arith.constant 0 : i32
    %dma_start3A_121 = arith.constant 0 : i32
    %dma_start3A_122 = tpu.memref_slice %arg7[%arg1, %dma_start3A_114, %dma_start3A_120, %dma_start3A_121] : memref<16x4x80x128xf32, #tpu.memory_space<vmem_shared>> -> memref<1x1x80x128xf32, #tpu.memory_space<vmem_shared>>
    %dma_start3A_123 = tpu.memref_squeeze %dma_start3A_122 : memref<1x1x80x128xf32, #tpu.memory_space<vmem_shared>> -> memref<80x128xf32, #tpu.memory_space<vmem_shared>>
    tpu.enqueue_dma source(%dma_start3A_123 : memref<80x128xf32, #tpu.memory_space<vmem_shared>>) target(%dma_start3A_119 : memref<80x128xf32, #tpu.memory_space<hbm>>) target_semaphore(%dma_start3A_117 : memref<!tpu.dma_semaphore, #tpu.memory_space<semaphore_mem>>)
    %add3A_124 = arith.constant 25280 : i32
    %add3A_125 = arith.addi %mul3A_2, %add3A_124 : i32
    %dma_wait3A_126 = arith.constant 0 : i32
    %dma_wait3A_127 = arith.constant 0 : i32
    %dma_wait3A_128 = tpu.memref_slice %arg10[%dma_wait3A_127] : memref<4x!tpu.dma_semaphore, #tpu.memory_space<semaphore_mem>> -> memref<1x!tpu.dma_semaphore, #tpu.memory_space<semaphore_mem>>
    %dma_wait3A_129 = tpu.memref_squeeze %dma_wait3A_128 : memref<1x!tpu.dma_semaphore, #tpu.memory_space<semaphore_mem>> -> memref<!tpu.dma_semaphore, #tpu.memory_space<semaphore_mem>>
    %dma_wait3A_130 = arith.constant 0 : i32
    %dma_wait3A_131 = tpu.memref_slice %arg4[%add3A_125, %dma_wait3A_130] : memref<819200x128xf32, #tpu.memory_space<hbm>> -> memref<80x128xf32, #tpu.memory_space<hbm>>
    %dma_wait3A_132 = arith.constant 0 : i32
    %dma_wait3A_133 = arith.constant 0 : i32
    %dma_wait3A_134 = tpu.memref_slice %arg7[%arg1, %dma_wait3A_126, %dma_wait3A_132, %dma_wait3A_133] : memref<16x4x80x128xf32, #tpu.memory_space<vmem_shared>> -> memref<1x1x80x128xf32, #tpu.memory_space<vmem_shared>>
    %dma_wait3A_135 = tpu.memref_squeeze %dma_wait3A_134 : memref<1x1x80x128xf32, #tpu.memory_space<vmem_shared>> -> memref<80x128xf32, #tpu.memory_space<vmem_shared>>
    tpu.wait_dma2 semaphore(%dma_wait3A_129 : memref<!tpu.dma_semaphore, #tpu.memory_space<semaphore_mem>>) src(%dma_wait3A_135 : memref<80x128xf32, #tpu.memory_space<vmem_shared>>) dst(%dma_wait3A_131 : memref<80x128xf32, #tpu.memory_space<hbm>>)
    %add3A_136 = arith.constant 25360 : i32
    %add3A_137 = arith.addi %mul3A_2, %add3A_136 : i32
    %dma_wait3A_138 = arith.constant 1 : i32
    %dma_wait3A_139 = arith.constant 1 : i32
    %dma_wait3A_140 = tpu.memref_slice %arg10[%dma_wait3A_139] : memref<4x!tpu.dma_semaphore, #tpu.memory_space<semaphore_mem>> -> memref<1x!tpu.dma_semaphore, #tpu.memory_space<semaphore_mem>>
    %dma_wait3A_141 = tpu.memref_squeeze %dma_wait3A_140 : memref<1x!tpu.dma_semaphore, #tpu.memory_space<semaphore_mem>> -> memref<!tpu.dma_semaphore, #tpu.memory_space<semaphore_mem>>
    %dma_wait3A_142 = arith.constant 0 : i32
    %dma_wait3A_143 = tpu.memref_slice %arg4[%add3A_137, %dma_wait3A_142] : memref<819200x128xf32, #tpu.memory_space<hbm>> -> memref<80x128xf32, #tpu.memory_space<hbm>>
    %dma_wait3A_144 = arith.constant 0 : i32
    %dma_wait3A_145 = arith.constant 0 : i32
    %dma_wait3A_146 = tpu.memref_slice %arg7[%arg1, %dma_wait3A_138, %dma_wait3A_144, %dma_wait3A_145] : memref<16x4x80x128xf32, #tpu.memory_space<vmem_shared>> -> memref<1x1x80x128xf32, #tpu.memory_space<vmem_shared>>
    %dma_wait3A_147 = tpu.memref_squeeze %dma_wait3A_146 : memref<1x1x80x128xf32, #tpu.memory_space<vmem_shared>> -> memref<80x128xf32, #tpu.memory_space<vmem_shared>>
    tpu.wait_dma2 semaphore(%dma_wait3A_141 : memref<!tpu.dma_semaphore, #tpu.memory_space<semaphore_mem>>) src(%dma_wait3A_147 : memref<80x128xf32, #tpu.memory_space<vmem_shared>>) dst(%dma_wait3A_143 : memref<80x128xf32, #tpu.memory_space<hbm>>)
    %add3A_148 = arith.constant 25440 : i32
    %add3A_149 = arith.addi %mul3A_2, %add3A_148 : i32
    %dma_wait3A_150 = arith.constant 2 : i32
    %dma_wait3A_151 = arith.constant 2 : i32
    %dma_wait3A_152 = tpu.memref_slice %arg10[%dma_wait3A_151] : memref<4x!tpu.dma_semaphore, #tpu.memory_space<semaphore_mem>> -> memref<1x!tpu.dma_semaphore, #tpu.memory_space<semaphore_mem>>
    %dma_wait3A_153 = tpu.memref_squeeze %dma_wait3A_152 : memref<1x!tpu.dma_semaphore, #tpu.memory_space<semaphore_mem>> -> memref<!tpu.dma_semaphore, #tpu.memory_space<semaphore_mem>>
    %dma_wait3A_154 = arith.constant 0 : i32
    %dma_wait3A_155 = tpu.memref_slice %arg4[%add3A_149, %dma_wait3A_154] : memref<819200x128xf32, #tpu.memory_space<hbm>> -> memref<80x128xf32, #tpu.memory_space<hbm>>
    %dma_wait3A_156 = arith.constant 0 : i32
    %dma_wait3A_157 = arith.constant 0 : i32
    %dma_wait3A_158 = tpu.memref_slice %arg7[%arg1, %dma_wait3A_150, %dma_wait3A_156, %dma_wait3A_157] : memref<16x4x80x128xf32, #tpu.memory_space<vmem_shared>> -> memref<1x1x80x128xf32, #tpu.memory_space<vmem_shared>>
    %dma_wait3A_159 = tpu.memref_squeeze %dma_wait3A_158 : memref<1x1x80x128xf32, #tpu.memory_space<vmem_shared>> -> memref<80x128xf32, #tpu.memory_space<vmem_shared>>
    tpu.wait_dma2 semaphore(%dma_wait3A_153 : memref<!tpu.dma_semaphore, #tpu.memory_space<semaphore_mem>>) src(%dma_wait3A_159 : memref<80x128xf32, #tpu.memory_space<vmem_shared>>) dst(%dma_wait3A_155 : memref<80x128xf32, #tpu.memory_space<hbm>>)
    %add3A_160 = arith.constant 25520 : i32
    %add3A_161 = arith.addi %mul3A_2, %add3A_160 : i32
    %dma_wait3A_162 = arith.constant 3 : i32
    %dma_wait3A_163 = arith.constant 3 : i32
    %dma_wait3A_164 = tpu.memref_slice %arg10[%dma_wait3A_163] : memref<4x!tpu.dma_semaphore, #tpu.memory_space<semaphore_mem>> -> memref<1x!tpu.dma_semaphore, #tpu.memory_space<semaphore_mem>>
    %dma_wait3A_165 = tpu.memref_squeeze %dma_wait3A_164 : memref<1x!tpu.dma_semaphore, #tpu.memory_space<semaphore_mem>> -> memref<!tpu.dma_semaphore, #tpu.memory_space<semaphore_mem>>
    %dma_wait3A_166 = arith.constant 0 : i32
    %dma_wait3A_167 = tpu.memref_slice %arg4[%add3A_161, %dma_wait3A_166] : memref<819200x128xf32, #tpu.memory_space<hbm>> -> memref<80x128xf32, #tpu.memory_space<hbm>>
    %dma_wait3A_168 = arith.constant 0 : i32
    %dma_wait3A_169 = arith.constant 0 : i32
    %dma_wait3A_170 = tpu.memref_slice %arg7[%arg1, %dma_wait3A_162, %dma_wait3A_168, %dma_wait3A_169] : memref<16x4x80x128xf32, #tpu.memory_space<vmem_shared>> -> memref<1x1x80x128xf32, #tpu.memory_space<vmem_shared>>
    %dma_wait3A_171 = tpu.memref_squeeze %dma_wait3A_170 : memref<1x1x80x128xf32, #tpu.memory_space<vmem_shared>> -> memref<80x128xf32, #tpu.memory_space<vmem_shared>>
    tpu.wait_dma2 semaphore(%dma_wait3A_165 : memref<!tpu.dma_semaphore, #tpu.memory_space<semaphore_mem>>) src(%dma_wait3A_171 : memref<80x128xf32, #tpu.memory_space<vmem_shared>>) dst(%dma_wait3A_167 : memref<80x128xf32, #tpu.memory_space<hbm>>)
    return
  }
}

</mosaic_0001>

<sc_bundles>
// kernel: kernel.3.cloned.1.call-start
scs
__scs_entry_jumppad:
0x0: {  	(pc) =	sbr.rel $0x88, $3  }
0x1: {  	(tag) =	ssettag $0x0;
	lr =	simm.s32 $0x1  }
0x2: {  	[smem:$0x3F9F] =	sst lr;
	_ =	strace $0xD0000000  }
0x3: {  	_ = 	snop  }
0x4: {  	_ = 	snop  }
0x5: {  	_ = 	snop  }
0x6: {  	_ = 	snop  }
0x7: {  	_ = 	snop  }
__scs_overlays_trampoline_lowered:
0x8: {  	[smem:$0x3FAE] =	sst s0  }
0x9: {  	[smem:$0x3FAF] =	sst s1  }
0xa: {  	[smem:$0x3FB0] =	sst s2  }
0xb: {  	[smem:$0x3FB1] =	sst s3  }
0xc: {  	[smem:$0x3FB2] =	sst s4  }
0xd: {  	[smem:$0x3FB3] =	sst s5  }
0xe: {  	[smem:$0x3FB4] =	sst s6  }
0xf: {  	[smem:$0x3FB5] =	sst s7  }
0x10: {  	[smem:$0x3FB6] =	sst s8  }
0x11: {  	[smem:$0x3FB7] =	sst s9;
	s0 =	simm.s32 @!p0 $0x0  }
0x12: {  	s1 =	sld [smem:$0x3F9D];
	s0 =	simm.s32 @p0 $0x1  }
0x13: {  	[smem:$0x3FB8] =	sst s0;
	s0 =	simm.s32 @!p1 $0x0  }
0x14: {  	s2 =	sld [smem:$0x3F9C];
	s0 =	simm.s32 @p1 $0x1  }
0x15: {  	[smem:$0x3FB9] =	sst s0;
	s0 =	simm.s32 @!p2 $0x0  }
0x16: {  	s3 =	sld [smem:$0x3FDB];
	s0 =	simm.s32 @p2 $0x1  }
0x17: {  	s4 =	simm.s32 $0x1BF5;
	[smem:$0x3FBB] =	sst s0  }
0x18: {  	s0 =	sld [smem:$0x3F9E];
	_ =	swait.ge [sflag:s4], $0x0  }
0x19: {  	s7 =	sld [smem:$0x3F9F]  }
0x1a: {  	s8 =	sadd.s32 $0xFFFFE003, lr  }
0x1b: {  	s9 =	sadd.s32 $0xFFFFFEF7, lr;
	s5 =	simm.s32 $0xFFFFFFFF;
	p2 =	slt.u32 s8, $0xFFFFF086  }
0x1c: {  	p1 =	slt.u32 s9, $0xF7A;
	s5 =	simm.s32 @!p2 $0x0  }
0x1d: {  	s5 =	simm.s32 @p1 $0x1;
	p0 =	seq.s32 s7, s2  }
0x1e: {  	s7 =	smul.u32 @!p0 $0xF7A, s2;
	p2 =	seq.s32 @!p0 s5, $0x0  }
0x1f: {  	s9 =	smul.u32 $0xF7A, s1;
	s8 =	simm.s32 @!p0 $0x1BF5;
	p2 =	por !p2, p0  }
0x20: {  	[sflag:s8] =	ssyncset.s32 @!p0 $0xFFFFF086;
	s6 =	sadd.s32 @!p0 s3, s7;
	s7 =	simm.s32 @!p0 $0x108  }
0x21: {  	s3 =	sadd.s32 s3, s9;
	s6 =	sadd.s32 @!p0 $0x88, s6;
	s7 =	simm.s32 @p2 $0x1082  }
0x22: {  	[simem:s7], [sflag:s8] =	dma.local @!p0 [hbm:s6], $0xF7A  }
0x23: {  	s9 =	sor.u32 $0xD0000000, s2;
	s6 =	simm.s32 $0x108;
	_ =	swait.ge @!p0 [sflag:s8], $0x0  }
0x24: {  	s3 =	sadd.s32 $0x88, s3;
	s6 =	simm.s32 @!p1 $0x1082;
	[sflag:s4] =	ssyncset.s32 $0xFFFFF086  }
0x25: {  	[simem:s6], [sflag:s4] =	dma.local [hbm:s3], $0xF7A  }
0x26: {  	[smem:$0x3F9F] =	sst s1;
	(tag) =	ssettag s2;
	_ =	strace s9  }
0x27: {  	s1 =	sld [smem:$0x3FAF]  }
0x28: {  	s2 =	sld [smem:$0x3FB0]  }
0x29: {  	s4 =	sld [smem:$0x3FB2]  }
0x2a: {  	p0 =	seq.s32 s5, $0x0;
	s5 =	sld [smem:$0x3FB3]  }
0x2b: {  	s6 =	sld [smem:$0x3FB4]  }
0x2c: {  	s7 =	sld [smem:$0x3FB5]  }
0x2d: {  	s3 =	simm.s32 $0x108;
	s8 =	sld [smem:$0x3FB6]  }
0x2e: {  	s3 =	simm.s32 @!p0 $0x1082;
	s9 =	sld [smem:$0x3FB7]  }
0x2f: {  	lr =	sadd.s32 s0, s3;
	s0 =	sld [smem:$0x3FAE]  }
0x30: {  	s3 =	sld [smem:$0x3FB1]  }
0x31: {  	[smem:$0x3FBA] =	sst s10  }
0x32: {  	s10 =	sld [smem:$0x3FB8];
	_ =	sdelay $0x3  }
0x33: {  	p0 =	seq.s32 s10, $0x1;
	s10 =	sld [smem:$0x3FBA];
	_ =	sdelay $0x3  }
0x34: {  	[smem:$0x3FBA] =	sst s10  }
0x35: {  	s10 =	sld [smem:$0x3FB9];
	_ =	sdelay $0x3  }
0x36: {  	p1 =	seq.s32 s10, $0x1;
	s10 =	sld [smem:$0x3FBA];
	_ =	sdelay $0x3  }
0x37: {  	[smem:$0x3FBA] =	sst s10  }
0x38: {  	s10 =	sld [smem:$0x3FBB]  }
0x39: {  	_ = 	snop;
	(pc) =	sbr.ind lr, $3  }
0x3a: {  	_ = 	snop  }
0x3b: {  	_ = 	snop  }
0x3c: {  	p2 =	seq.s32 s10, $0x1;
	s10 =	sld [smem:$0x3FBA]  }
0x3d: {  	_ =	shalt  }
0x3e: {  	_ =	shalt  }
0x3f: {  	_ =	shalt  }
0x40: {  	_ =	shalt  }
0x41: {  	_ =	shalt  }
0x42: {  	_ =	shalt  }
0x43: {  	_ =	shalt  }
0x44: {  	_ =	shalt  }
0x45: {  	_ =	shalt  }
0x46: {  	_ =	shalt  }
0x47: {  	_ =	shalt  }
0x48: {  	_ =	shalt  }
0x49: {  	_ =	shalt  }
0x4a: {  	_ =	shalt  }
0x4b: {  	_ =	shalt  }
0x4c: {  	_ =	shalt  }
0x4d: {  	_ =	shalt  }
0x4e: {  	_ =	shalt  }
0x4f: {  	_ =	shalt  }
0x50: {  	_ =	shalt  }
0x51: {  	_ =	shalt  }
0x52: {  	_ =	shalt  }
0x53: {  	_ =	shalt  }
0x54: {  	_ =	shalt  }
0x55: {  	_ =	shalt  }
0x56: {  	_ =	shalt  }
0x57: {  	_ =	shalt  }
0x58: {  	_ =	shalt  }
0x59: {  	_ =	shalt  }
0x5a: {  	_ =	shalt  }
0x5b: {  	_ =	shalt  }
0x5c: {  	_ =	shalt  }
0x5d: {  	_ =	shalt  }
0x5e: {  	_ =	shalt  }
0x5f: {  	_ =	shalt  }
0x60: {  	_ =	shalt  }
0x61: {  	_ =	shalt  }
0x62: {  	_ =	shalt  }
0x63: {  	_ =	shalt  }
0x64: {  	_ =	shalt  }
0x65: {  	_ =	shalt  }
0x66: {  	_ =	shalt  }
0x67: {  	_ =	shalt  }
0x68: {  	_ =	shalt  }
0x69: {  	_ =	shalt  }
0x6a: {  	_ =	shalt  }
0x6b: {  	_ =	shalt  }
0x6c: {  	_ =	shalt  }
0x6d: {  	_ =	shalt  }
0x6e: {  	_ =	shalt  }
0x6f: {  	_ =	shalt  }
0x70: {  	_ =	shalt  }
0x71: {  	_ =	shalt  }
0x72: {  	_ =	shalt  }
0x73: {  	_ =	shalt  }
0x74: {  	_ =	shalt  }
0x75: {  	_ =	shalt  }
0x76: {  	_ =	shalt  }
0x77: {  	_ =	shalt  }
0x78: {  	_ =	shalt  }
0x79: {  	_ =	shalt  }
0x7a: {  	_ =	shalt  }
0x7b: {  	_ =	shalt  }
0x7c: {  	_ =	shalt  }
0x7d: {  	_ =	shalt  }
0x7e: {  	_ =	shalt  }
0x7f: {  	_ =	shalt  }
0x80: {  	_ =	shalt  }
0x81: {  	_ =	shalt  }
0x82: {  	_ =	shalt  }
0x83: {  	_ =	shalt  }
0x84: {  	_ =	shalt  }
0x85: {  	_ =	shalt  }
0x86: {  	_ =	shalt  }
0x87: {  	_ =	shalt  }
.Lfunc_end0:
.L_simem_size_0:
called_computation_lowered:
.L_overlay_start_0:
0x88: {  	s2 =	sld [smem:$0x3FD9]  }
0x89: {  	s3 =	sld [smem:$0x3FFE];
	_ =	sdelay $0x1  }
0x8a: {  	s1 =	srdreg.scid  }
0x8b: {  	s0 =	sand.u32 $0x1, s1  }
0x8c: {  	s17 =	sshll.u32 s0, $0xA;
	s2 =	sadd.s32 s3, s2  }
0x8d: {  	s2 =	sadd.s32 s2, s17  }
0x8e: {  	[smem:$0x3FC6] =	sst s2  }
0x8f: {  	_ = 	snop  }
0x90: {  	s2 =	sld [smem:$0x3FC8]  }
0x91: {  	s18 =	sld [smem:$0x3FD0];
	(tm) =	ssettm $0x1  }
0x92: {  	s4 =	sld [smem:$0x3FFB];
	_ =	sdelay $0x3  }
0x93: {  	_ =	strace s4  }
0x94: {  	s4 =	sld [smem:$0x3FFC];
	_ =	sdelay $0x3  }
0x95: {  	_ =	strace s4  }
0x96: {  	s4 =	sld [smem:$0x3FFD];
	_ =	sdelay $0x3  }
0x97: {  	_ =	strace s4  }
0x98: {  	_ =	strace $0x8FFFFFFF  }
0x99: {  	s19 =	sld [smem:$0x3FDB];
	_ =	sdelay $0x1  }
0x9a: {  	s5 =	simm.s32 $_scs_section_size  }
0x9b: {  	s6 =	simm.s32 $_size__tile_overlayer_lowered;
	s7 =	simm.s32 $_tile_overlayer_lowered  }
0x9c: {  	s22 =	simm.s32 $0x1BFF;
	s21 =	sshll.u32 s7, $0x1;
	s4 =	sadd.s32 s5, s19  }
0x9d: {  	s8 =	simm.s32 $0x0;
	s20 =	sshll.u32 s6, $0x1;
	s6 =	sadd.s32 s21, s4  }
0x9e: {  	[timem:s8], [sflag:s22] =	dma.local [hbm:s6], s20  }
0x9f: {  	_ =	swait.ge [sflag:s22], s20  }
0xa0: {  	s5 =	ssub.s32 $0x0, s20;
	[sflag:s22] =	ssyncset.done $0x0  }
0xa1: {  	[sflag:s22] =	ssyncadd.s32 s5;
	_ =	sdelay $0x1  }
0xa2: {  	s23 =	simm.s32 $0x1B8B  }
0xa3: {  	_ =	swait.ge [sflag:s23], $0x1  }
0xa4: {  	[sflag:s23] =	ssyncset.done $0x0  }
0xa5: {  	s25 =	simm.s32 $0x1B8E;
	s24 =	sld [smem:$0x3FFE];
	[sflag:s23] =	ssyncadd.s32 $0xFFFFFFFF  }
0xa6: {  	s26 =	simm.s32 $execute0_lowered;
	[smem:$0x3FD2] =	sst s25  }
0xa7: {  	s6 =	sshll.u32 s26, $0x1;
	_ =	strace $0x80000046;
	[dreg:$0x1] =	wrdreg $0xFFFFFFFF  }
0xa8: {  	s28 =	simm.s32 $_size_execute0_lowered;
	s4 =	sadd.s32 s4, s6;
	[dreg:$0x0] =	wrdreg $0x0  }
0xa9: {  	s6 =	sshll.u32 s28, $0x1;
	[dreg:$0x2] =	wrdreg s4  }
0xaa: {  	[dreg:$0x3] =	wrdreg s6  }
0xab: {  	[dreg:$0x4] =	wrdreg $0xC0  }
0xac: {  	_ =	task [dreg:s8], $0x5FFFF  }
0xad: {  	[dreg:$0x1] =	wrdreg $0xFFFFFFFF  }
0xae: {  	[dreg:$0x0] =	wrdreg $0x60  }
0xaf: {  	[dreg:$0x2] =	wrdreg s24  }
0xb0: {  	[dreg:$0x3] =	wrdreg s2  }
0xb1: {  	[dreg:$0x4] =	wrdreg s18  }
0xb2: {  	[dreg:$0x5] =	wrdreg $0x104000  }
0xb3: {  	[dreg:$0x6] =	wrdreg $0x9  }
0xb4: {  	_ =	task.clear_ibuf [dreg:s8], $0x7FFFF;
	_ =	strace $0x90000046  }
0xb5: {  	s29 =	simm.s32 $0x9;
	_ =	strace $0x80000048  }
0xb6: {  	_ =	swait.ge [sflag:s29], $0x1  }
0xb7: {  	[sflag:s29] =	ssyncadd.s32 $0xFFFFFFFF  }
0xb8: {  	_ =	strace $0x90000048  }
0xb9: {  	_ =	sfence  }
0xba: {  	s30 =	sld [smem:$0x0];
	_ =	sdelay $0x2  }
0xbb: {  	s31 =	sshll.u32 s1, $0xD;
	s1 =	sshrl.u32 s1, $0x2  }
0xbc: {  	s3 =	sand.u32 $0x4000, s31;
	s1 =	sadd.s32 s1, s30  }
0xbd: {  	s0 =	sor.u32 s3, s0;
	s1 =	sshll.u32 s1, $0x11  }
0xbe: {  	s0 =	sor.u32 s1, s0  }
0xbf: {  	s0 =	sadd.s32 $0x8F2B, s0  }
0xc0: {  	[sflag:s0] =	ssyncadd.remote.s32 $0x1  }
0xc1: {  	_ =	sfence.sel $0xFFFF  }
0xc2: {  	[dreg:$0x0] =	wrdreg $0xFFFFFFFF;
	(pc) =	sbr.abs _section_cstart, $3  }
0xc3: {  	[dreg:$0x1] =	wrdreg $0xFFFFFFFF  }
0xc4: {  	_ =	task.clear_ibuf [dreg:s8], $0x2FFFF;
	_ =	strace $0x9FFFFFFF  }
0xc5: {  	(tm) =	ssettm $0x7FFFFFFF  }
tec
execute0_lowered:
.L_overlay_start_1:
0x0: {  	(tag) =	ssettag $0x1  }
0x1: {  	s2 =	rddreg [dreg:$0x0]  }
0x2: {  	s1 =	rddreg [dreg:$0x1]  }
0x3: {  	s3 =	srdreg.scid;
	s4 =	rddreg [dreg:$0x2]  }
0x4: {  	s0 =	stileid.u32;
	s6 =	rddreg [dreg:$0x3]  }
0x5: {  	s8 =	simm.s32 $0x0;
	s14 =	simm.s32 $0x50;
	s15 =	simm.s32 $0x6400  }
0x6: {  	s16 =	simm.s32 $0x8C00;
	s18 =	simm.s32 $0xB400;
	s28 =	simm.s32 $0x4  }
0x7: {  	s29 =	simm.s32 $0xC;
	s30 =	simm.s32 $0x6;
	s17 =	simm.s32 $0x9  }
0x8: {  	s19 =	simm.s32 $0xA;
	s3 =	sand.u32 $0x1, s3;
	s9 =	smul.u32 $0x28000, s0  }
0x9: {  	s5 =	sshll.u32 s0, $0x1;
	[smem:$0x7FF] =	sst s8;
	s25 =	smul.u32 $0xC8000, s0  }
0xa: {  	s5 =	sor.u32 s3, s5;
	s20 =	ssub.s32 $0x2, s3;
	s3 =	smul.u32 $0x64000, s3  }
0xb: {  	_ =	strace $0x80000047;
	s7 =	smul.u32 $0x6400, s5;
	s10 =	sshrl.u32 s20, $0x1  }
0xc: {  	s5 =	smul.u32 $0x320000, s5;
	s22 =	sshrl.u32 s9, $0x2;
	s26 =	sadd.s32 s25, s4  }
0xd: {  	s21 =	ssub.s32 s20, s10;
	s20 =	simm.s32 $0xDC00;
	s7 =	sshrl.u32 s7, $0x3  }
0xe: {  	s23 =	sshrl.u32 s5, $0x3;
	s5 =	sadd.s32 s22, s6;
	s31 =	smax.u32 s21, $0x1  }
0xf: {  	s21 =	simm.s32 $0x1;
	s22 =	simm.s32 $0x2;
	s2 =	sadd.s32 s7, s2  }
0x10: {  	s24 =	sadd.s32 s4, s23;
	s6 =	sadd.s32 $0x5000, s5;
	[dreg:$0x8] =	wrdreg s31  }
0x11: {  	s11 =	sadd.s32 $0x2800, s5;
	s23 =	sshll.u32 s0, $0x6;
	s2 =	sadd.s32 $0x400, s2  }
.Ltmp0:
0x12: {  	s8 =	sadd.s32 $0x63600, s24;
	[dreg:$0x5] =	wrdreg s2;
	(pc) =	sbr.rel .LBB2_1-.Ltmp0, $4  }
0x13: {  	s4 =	simm.s32 $0x0;
	[dreg:$0x6] =	wrdreg s8;
	s2 =	sadd.s32 $0x63B00, s24  }
0x14: {  	s25 =	sor.u32 $0x1C09, s23;
	[dreg:$0x7] =	wrdreg s2;
	s2 =	sadd.s32 s3, s26  }
0x15: {  	s8 =	sadd.s32 $0x7800, s5;
	s24 =	simm.s32 $0x5;
	s2 =	sadd.s32 $0x500, s2  }
0x16: {  	s26 =	sshrl.u32 s5, $0x3;
	s3 =	simm.s32 $0xB;
	[dreg:$0x9] =	wrdreg s2  }
.LBB2_8:
0x17: {  	s2 =	simm.s32 $0x7  }
0x18: {  	_ =	swait.ge [sflag:s2], $0x2800  }
0x19: {  	s31 =	sor.u32 $0x1C0B, s23;
	[sflag:s2] =	ssyncset.done $0x0  }
0x1a: {  	s7 =	sshrl.u32 s6, $0x3;
	s9 =	rddreg [dreg:$0x6];
	[sflag:s2] =	ssyncadd.s32 $0xFFFFD800  }
0x1b: {  	[hbm:s9], [sflag:s31] =	dma.local [spmem:s7], $0x500  }
0x1c: {  	s9 =	simm.s32 $0x8  }
0x1d: {  	_ =	swait.ge [sflag:s9], $0x2800  }
0x1e: {  	s10 =	sor.u32 $0x1C0C, s23;
	[sflag:s9] =	ssyncset.done $0x0  }
0x1f: {  	s12 =	sshrl.u32 s8, $0x3;
	s13 =	rddreg [dreg:$0x7];
	[sflag:s9] =	ssyncadd.s32 $0xFFFFD800  }
0x20: {  	[hbm:s13], [sflag:s10] =	dma.local [spmem:s12], $0x500  }
0x21: {  	_ =	swait.ge [sflag:s17], $0x500  }
0x22: {  	[sflag:s17] =	ssyncset.done $0x0  }
0x23: {  	[sflag:s17] =	ssyncadd.s32 $0xFFFFFB00  }
0x24: {  	_ =	swait.ge [sflag:s19], $0x500  }
0x25: {  	[sflag:s19] =	ssyncset.done $0x0  }
0x26: {  	[sflag:s19] =	ssyncadd.s32 $0xFFFFFB00  }
0x27: {  	_ =	swait.ge [sflag:s3], $0x500  }
0x28: {  	[sflag:s3] =	ssyncset.done $0x0  }
0x29: {  	[sflag:s3] =	ssyncadd.s32 $0xFFFFFB00  }
0x2a: {  	_ =	swait.ge [sflag:s29], $0x500  }
0x2b: {  	s4 =	sadd.s32 $0x1, s4;
	s31 =	rddreg [dreg:$0x8]  }
0x2c: {  	p0 =	sne.s32 s4, s31  }
.Ltmp1:
0x2d: {  	_ = 	snop;
	(pc) =	sbr.rel @!p0 .LBB2_9-.Ltmp1, $3  }
0x2e: {  	_ =	sdelay $0x1  }
0x2f: {  	[sflag:s29] =	ssyncset.done $0x0  }
0x30: {  	[sflag:s29] =	ssyncadd.s32 $0xFFFFFB00  }
.LBB2_1:
0x31: {  	s2 =	simm.s32 $0x0;
	s7 =	rddreg [dreg:$0x5];
	s12 =	simm.s32 $0xD  }
0x32: {  	[tilespmem:s2], [sflag:$0xD] =	stream.linear.gather [hbm4b:s7+s2], $0x6400, $0x38;
	[tilespmem:$0x1A400] =	vst v63  }
0x33: {  	_ =	swait.ge [sflag:s12], $0x6400  }
0x34: {  	[sflag:s12] =	ssyncset.done $0x0  }
0x35: {  	[sflag:s12] =	ssyncadd.s32 $0xFFFF9C00  }
0x36: {  	[tilespmem:s15], [sflag:$0x1] =	stream.indirect.gather [hbm4b:s1+s14], $0x80, s2, s14, $0xb8;
	[tilespmem:$0x1A400] =	vst v63  }
0x37: {  	_ = 	snop  }
0x38: {  	[tilespmem:s16], [sflag:$0x2] =	stream.indirect.gather [hbm4b:s1+s14], $0x80, s14, s14, $0xb8;
	[tilespmem:$0x1A400] =	vst v63  }
0x39: {  	s13 =	simm.s32 $0xA0  }
0x3a: {  	[tilespmem:s18], [sflag:$0x3] =	stream.indirect.gather [hbm4b:s1+s14], $0x80, s13, s14, $0xb8;
	[tilespmem:$0x1A400] =	vst v63  }
0x3b: {  	s31 =	simm.s32 $0xF0;
	s9 =	simm.s32 $0x0;
	s12 =	rddreg [dreg:$0x9]  }
0x3c: {  	[tilespmem:s20], [sflag:$0x4] =	stream.indirect.gather [hbm4b:s1+s14], $0x80, s31, s14, $0xb8;
	[tilespmem:$0x1A400] =	vst v63  }
.LBB2_2:
0x3d: {  	_ =	swait.ge [sflag:s21], $0x2800  }
0x3e: {  	p0 =	sne.s32 s9, $0x0;
	[sflag:s21] =	ssyncset.done $0x0  }
0x3f: {  	s10 =	simm.s32 @p0 $0x9;
	[sflag:s21] =	ssyncadd.s32 $0xFFFFD800  }
0x40: {  	_ =	swait.ge @p0 [sflag:s10], $0x500  }
0x41: {  	[sflag:s10] =	ssyncset.done @p0 $0x0  }
0x42: {  	[sflag:s10] =	ssyncadd.s32 @p0 $0xFFFFFB00;
	s10 =	simm.s32 @p0 $0x6400  }
0x43: {  	[spmem:s5] =	stream.linear.scatter @p0 [tilespmem:s10], [sflag:$0x5], $0x2800, $0x38;
	[tilespmem:$0x1A400] =	vst v63  }
0x44: {  	s10 =	simm.s32 @p0 $0x7  }
0x45: {  	_ =	swait.ge @p0 [sflag:s10], $0x2800  }
0x46: {  	[sflag:s10] =	ssyncset.done @p0 $0x0  }
0x47: {  	[sflag:s10] =	ssyncadd.s32 @p0 $0xFFFFD800;
	s10 =	sshll.u32 @p0 s0, $0x6  }
0x48: {  	s7 =	sadd.s32 @p0 $0xFFFFF100, s12;
	s31 =	sshrl.u32 @p0 s6, $0x3;
	s13 =	sor.u32 @p0 $0x1C0B, s10  }
0x49: {  	[hbm:s7], [sflag:s13] =	dma.local @p0 [spmem:s31], $0x500  }
0x4a: {  	s7 =	sshra.s32 @p0 s9, $0x2  }
0x4b: {  	s2 =	simm.s32 @p0 $0xB400;
	s31 =	simm.s32 @p0 $0x50;
	s13 =	sadd.s32 @p0 $0xA0, s7  }
0x4c: {  	[tilespmem:s2], [sflag:$0x3] =	stream.indirect.gather @p0 [hbm4b:s1+s31], $0x80, s13, s31, $0xb8;
	[tilespmem:$0x1A400] =	vst v63  }
0x4d: {  	s2 =	simm.s32 @!p0 $0x6400  }
0x4e: {  	[spmem:s5] =	stream.linear.scatter @!p0 [tilespmem:s2], [sflag:$0x5], $0x2800, $0x38;
	[tilespmem:$0x1A400] =	vst v63  }
0x4f: {  	_ =	swait.ge [sflag:s22], $0x2800  }
0x50: {  	[sflag:s22] =	ssyncset.done $0x0  }
0x51: {  	s2 =	simm.s32 @p0 $0xA;
	[sflag:s22] =	ssyncadd.s32 $0xFFFFD800  }
0x52: {  	_ =	swait.ge @p0 [sflag:s2], $0x500  }
0x53: {  	[sflag:s2] =	ssyncset.done @p0 $0x0  }
0x54: {  	[sflag:s2] =	ssyncadd.s32 @p0 $0xFFFFFB00;
	s2 =	simm.s32 @p0 $0x8C00  }
0x55: {  	[spmem:s11] =	stream.linear.scatter @p0 [tilespmem:s2], [sflag:$0x6], $0x2800, $0x38;
	[tilespmem:$0x1A400] =	vst v63  }
0x56: {  	s2 =	simm.s32 @p0 $0x8  }
0x57: {  	_ =	swait.ge @p0 [sflag:s2], $0x2800  }
0x58: {  	s10 =	sor.u32 @p0 $0x1C0C, s10;
	[sflag:s2] =	ssyncset.done @p0 $0x0  }
0x59: {  	s13 =	sshrl.u32 @p0 s8, $0x3;
	[sflag:s2] =	ssyncadd.s32 @p0 $0xFFFFD800;
	s2 =	sadd.s32 @p0 $0xFFFFF600, s12  }
0x5a: {  	[hbm:s2], [sflag:s10] =	dma.local @p0 [spmem:s13], $0x500  }
0x5b: {  	s2 =	sadd.s32 @p0 $0xF0, s7;
	s7 =	simm.s32 @p0 $0xDC00  }
0x5c: {  	[tilespmem:s7], [sflag:$0x4] =	stream.indirect.gather @p0 [hbm4b:s1+s31], $0x80, s2, s31, $0xb8;
	[tilespmem:$0x1A400] =	vst v63  }
0x5d: {  	s2 =	simm.s32 @p0 $0x3  }
0x5e: {  	_ =	swait.ge @p0 [sflag:s2], $0x2800  }
0x5f: {  	[sflag:s2] =	ssyncset.done @p0 $0x0  }
0x60: {  	[sflag:s2] =	ssyncadd.s32 @p0 $0xFFFFD800;
	s2 =	simm.s32 @p0 $0xB  }
0x61: {  	_ =	swait.ge @p0 [sflag:s2], $0x500  }
0x62: {  	[sflag:s2] =	ssyncset.done @p0 $0x0  }
0x63: {  	[sflag:s2] =	ssyncadd.s32 @p0 $0xFFFFFB00;
	s2 =	simm.s32 @!p0 $0x8C00  }
0x64: {  	[spmem:s11] =	stream.linear.scatter @!p0 [tilespmem:s2], [sflag:$0x6], $0x2800, $0x38;
	[tilespmem:$0x1A400] =	vst v63  }
0x65: {  	s2 =	simm.s32 @!p0 $0x3  }
0x66: {  	_ =	swait.ge @!p0 [sflag:s2], $0x2800  }
0x67: {  	[sflag:s2] =	ssyncset.done @!p0 $0x0  }
0x68: {  	[sflag:s2] =	ssyncadd.s32 @!p0 $0xFFFFD800;
	p0 =	sne.s32 s9, $0x18B00  }
0x69: {  	[spmem:s6] =	stream.linear.scatter [tilespmem:s18], [sflag:$0x7], $0x2800, $0x38;
	[tilespmem:$0x1A400] =	vst v63  }
.Ltmp2:
0x6a: {  	_ = 	snop;
	(pc) =	sbr.rel @p0 .LBB2_4-.Ltmp2, $4  }
0x6b: {  	_ =	swait.ge [sflag:s24], $0x2800  }
0x6c: {  	[sflag:s24] =	ssyncset.done $0x0  }
0x6d: {  	s31 =	sadd.s32 $0xFFFFFB00, s12;
	[sflag:s24] =	ssyncadd.s32 $0xFFFFD800  }
0x6e: {  	[hbm:s31], [sflag:s25] =	dma.local [spmem:s26], $0x500  }
.Ltmp3:
0x6f: {  	(pc) =	sbr.rel .LBB2_5-.Ltmp3, $4  }
0x70: {  	_ = 	snop  }
0x71: {  	_ =	swait.ge [sflag:s28], $0x2800  }
0x72: {  	[sflag:s28] =	ssyncset.done $0x0  }
0x73: {  	[sflag:s28] =	ssyncadd.s32 $0xFFFFD800  }
.LBB2_4:
0x74: {  	s2 =	sshra.s32 s9, $0x2;
	p0 =	seq.s32 s9, $0x0  }
.Ltmp4:
0x75: {  	s2 =	sadd.s32 $0x140, s2;
	(pc) =	sbr.rel @p0 .LBB2_6-.Ltmp4, $4  }
0x76: {  	[tilespmem:s15], [sflag:$0x1] =	stream.indirect.gather [hbm4b:s1+s14], $0x80, s2, s14, $0xb8;
	[tilespmem:$0x1A400] =	vst v63  }
0x77: {  	_ =	swait.ge [sflag:s28], $0x2800  }
0x78: {  	[sflag:s28] =	ssyncset.done $0x0  }
0x79: {  	[sflag:s28] =	ssyncadd.s32 $0xFFFFD800  }
.LBB2_5:
0x7a: {  	_ =	swait.ge [sflag:s29], $0x500  }
0x7b: {  	[sflag:s29] =	ssyncset.done $0x0  }
0x7c: {  	[sflag:s29] =	ssyncadd.s32 $0xFFFFFB00  }
.LBB2_6:
0x7d: {  	[spmem:s8] =	stream.linear.scatter [tilespmem:s20], [sflag:$0x8], $0x2800, $0x38;
	[tilespmem:$0x1A400] =	vst v63  }
0x7e: {  	p0 =	seq.s32 s9, $0x18B00  }
.Ltmp5:
0x7f: {  	_ = 	snop;
	(pc) =	sbr.rel @p0 .LBB2_8-.Ltmp5, $4  }
0x80: {  	_ =	swait.ge [sflag:s30], $0x2800  }
0x81: {  	[sflag:s30] =	ssyncset.done $0x0  }
0x82: {  	s2 =	sor.u32 $0x1C0A, s23;
	s7 =	sshrl.u32 s11, $0x3;
	[sflag:s30] =	ssyncadd.s32 $0xFFFFD800  }
0x83: {  	[hbm:s12], [sflag:s2] =	dma.local [spmem:s7], $0x500  }
.Ltmp6:
0x84: {  	(pc) =	sbr.rel .LBB2_2-.Ltmp6, $4  }
0x85: {  	_ = 	snop  }
0x86: {  	s2 =	sshra.s32 s9, $0x2  }
0x87: {  	s9 =	sadd.s32 $0x500, s9;
	s12 =	sadd.s32 $0x1400, s12;
	s2 =	sadd.s32 $0x190, s2  }
0x88: {  	[tilespmem:s16], [sflag:$0x2] =	stream.indirect.gather [hbm4b:s1+s14], $0x80, s2, s14, $0xb8;
	[tilespmem:$0x1A400] =	vst v63  }
.LBB2_9:
0x89: {  	_ =	sfence.sel $0x180000  }
0x8a: {  	[bflag:$0x0] =	sbarrier.arrive $0xFFFF  }
0x8b: {  	_ =	strace $0x90000047  }
0x8c: {  	[bflag:$0x2] =	sbarrier.arrive $0xFFFF  }
0x8d: {  	p0 =	sne.s32 s0, $0x0;
	s0 =	rddreg [dreg:$0x4]  }
0x8e: {  	s0 =	sadd.s32 @!p0 $0x100000, s0  }
0x8f: {  	[sflag:s0] =	ssyncadd.tile.s32 @!p0 $0x1;
	_ =	shalt  }
.Lfunc_end2:
_tile_overlayer_lowered:
.L_overlay_start_2:
0x90: {  	(tag) =	ssettag $0x2  }
0x91: {  	s0 =	rddreg [dreg:$0x0];
	s2 =	stileid.u32  }
0x92: {  	s1 =	rddreg [dreg:$0x1];
	p0 =	sne.s32 s2, $0x0  }
0x93: {  	s3 =	rddreg [dreg:$0x2];
	[bflag:$0x3] =	sbarrier.arrive $0xFFFF;
	s2 =	simm.s32 @!p0 $0x1C0D  }
0x94: {  	[timem:s3], [sflag:s2] =	dma.local @!p0 [hbm:s0], s1  }
0x95: {  	s0 =	simm.s32 @!p0 $0xD  }
0x96: {  	_ =	swait.ge @!p0 [sflag:s0], s1  }
0x97: {  	s1 =	ssub.s32 @!p0 $0x0, s1;
	[sflag:s0] =	ssyncset.done @!p0 $0x0  }
0x98: {  	[sflag:s0] =	ssyncadd.s32 @!p0 s1  }
0x99: {  	[bflag:$0x3] =	sbarrier.arrive $0xFFFF  }
0x9a: {  	_ =	shalt  }

</sc_bundles>
